<compile_context>
chip_gen: v7x
topology: tpu7x:2x2x1
jax: 0.10.2.dev20260603
libtpu: 0.0.44.dev20260713+nightly
codegen_flags: <defaults>
</compile_context>

<pallas_src>
import functools

import jax
import jax.numpy as jnp
from jax import lax
from jax.experimental import pallas as pl
from jax.experimental.pallas import tpu as pltpu
from jax.experimental.pallas import tpu_sc as plsc



def _dense_body(x_ref, c_ref, w_ref, y_ref):
    xb = x_ref[...]
    cb = c_ref[...]
    wb = w_ref[...]
    logits = lax.dot_general(xb, cb, (((1,), (1,)), ((), ())),
                             preferred_element_type=jnp.float32)
    m = jnp.max(logits, axis=1, keepdims=True)
    e = jnp.exp(logits - m)
    a = e / jnp.sum(e, axis=1, keepdims=True)
    w_eff = lax.dot_general(a, wb, (((1,), (0,)), ((), ())),
                            preferred_element_type=jnp.float32)
    y_ref[...] = xb * w_eff


def _dense_transform(x, centers, weights, block_rows):
    n, c = x.shape
    k = centers.shape[0]
    grid = (n // block_rows,)
    return pl.pallas_call(
        _dense_body,
        grid=grid,
        in_specs=[
            pl.BlockSpec((block_rows, c), lambda i: (i, 0)),
            pl.BlockSpec((k, c), lambda i: (0, 0)),
            pl.BlockSpec((k, c), lambda i: (0, 0)),
        ],
        out_specs=pl.BlockSpec((block_rows, c), lambda i: (i, 0)),
        out_shape=jax.ShapeDtypeStruct((n, c), jnp.float32),
    )(x, centers, weights)



_LCH = 40
_NBUF = 5


@functools.lru_cache(maxsize=None)
def _sc_workers():
    info = plsc.get_sparse_core_info()
    return info.num_cores, info.num_subcores


@functools.lru_cache(maxsize=None)
def _make_gather(n_rows, c, ch, n_table):
    _NC, _NS = _sc_workers()
    per_w = ch * _LCH
    assert ch % _NBUF == 0
    ngroups = ch // _NBUF
    mesh = plsc.VectorSubcoreMesh(core_axis_name="c", subcore_axis_name="s")

    @functools.partial(
        pl.kernel,
        out_type=jax.ShapeDtypeStruct((n_rows, c), jnp.float32),
        mesh=mesh,
        scratch_types=(
            [pltpu.VMEM((ch * _LCH,), jnp.int32),
             pltpu.VMEM((_NBUF, _LCH, c), jnp.float32),
             pltpu.VMEM_SHARED((n_table, c), jnp.float32)]
            + [pltpu.SemaphoreType.DMA] * (2 * _NBUF)
        ),
    )
    def gather_k(y_hbm, idx_hbm, out_hbm, idx_v, bufs, y_sp, *sems):
        gsem, ssem = sems[:_NBUF], sems[_NBUF:]
        sid = lax.axis_index("s")
        wid = sid * _NC + lax.axis_index("c")
        base = wid * per_w

        rows_main = (n_table // (8 * _NS)) * 8
        rows_last = n_table - rows_main * (_NS - 1)

        @pl.when(sid < _NS - 1)
        def _():
            pltpu.sync_copy(y_hbm.at[pl.ds(sid * rows_main, rows_main)],
                            y_sp.at[pl.ds(sid * rows_main, rows_main)])

        @pl.when(sid == _NS - 1)
        def _():
            pltpu.sync_copy(
                y_hbm.at[pl.ds((_NS - 1) * rows_main, rows_last)],
                y_sp.at[pl.ds((_NS - 1) * rows_main, rows_last)])
        pltpu.sync_copy(idx_hbm.at[wid], idx_v)
        plsc.subcore_barrier()

        def gather_wait(b):
            pltpu.make_async_copy(
                y_hbm.at[pl.ds(0, _LCH)], bufs.at[b], gsem[b]).wait()

        def scatter_wait(b):
            pltpu.make_async_copy(
                bufs.at[b], out_hbm.at[pl.ds(0, _LCH)], ssem[b]).wait()

        for b in range(_NBUF):
            pltpu.async_copy(
                y_sp.at[idx_v.at[pl.ds(b * _LCH, _LCH)]], bufs.at[b],
                gsem[b])

        def body(g, carry):
            j0 = g * _NBUF
            for b in range(_NBUF):
                gather_wait(b)
                pltpu.async_copy(
                    bufs.at[b],
                    out_hbm.at[pl.ds(base + (j0 + b) * _LCH, _LCH)],
                    ssem[b])

            @pl.when(g + 1 < ngroups)
            def _():
                for b in range(_NBUF):
                    scatter_wait(b)
                    off = pl.multiple_of((j0 + _NBUF + b) * _LCH, 8)
                    pltpu.async_copy(
                        y_sp.at[idx_v.at[pl.ds(off, _LCH)]], bufs.at[b],
                        gsem[b])
            return carry

        lax.fori_loop(0, ngroups, body, 0, unroll=False)
        for b in range(_NBUF):
            scatter_wait(b)

    return gather_k


def kernel(x, edge_index, centers, weights):
    n, c = x.shape
    y = _dense_transform(x, centers, weights, block_rows=2000)

    idx = edge_index.reshape(-1).astype(jnp.int32)
    e2 = idx.shape[0]
    nc, ns = _sc_workers()
    nw = nc * ns
    assert e2 % (nw * _LCH) == 0
    ch = e2 // (nw * _LCH)
    idx3 = idx.reshape(nw, ch * _LCH)

    out = _make_gather(e2, c, ch, n)(y, idx3)
    return out.reshape(2, e2 // 2, c)

# --- scband reference (transcript-rebuilt; emitter-appended) ---
"""Pipeline reference for scband-cluster-conv-49667001811498 (READ-ONLY COPY).

The authoritative reference and input builder live on the scoring server;
editing this copy changes nothing except your own understanding.
"""

import jax, jax.numpy as jnp
import numpy as np

N, E, C, K = 10000, 160000, 128, 16

def setup_inputs(seed: int = 0) -> dict:
    key = jax.random.key(seed)
    k1, k2, k3, k4 = jax.random.split(key, 4)
    x = jax.random.normal(k1, (N, C), dtype=jnp.float32)
    edge_index = jax.random.randint(k2, (2, E), 0, N, dtype=jnp.int32)
    # Learned parameters of the cluster Convolution(in_channels, in_channels, kernels=16, bias=False):
    # K kernel centers (for soft cluster assignment) and K per-kernel channel weights.
    centers = jax.random.normal(k3, (K, C), dtype=jnp.float32) * 0.1
    weights = jax.random.normal(k4, (K, C), dtype=jnp.float32) * 0.1
    return {"x": x, "edge_index": edge_index, "centers": centers, "weights": weights}

def reference(x, edge_index, centers, weights):
    # batched_index_select(x, edge_index): gather endpoint features -> [2, E, C]
    x_j = jnp.take(x, edge_index, axis=0)
    # Cluster convolution with `kernels` soft kernels:
    # soft-assign each gathered feature to K kernels via affinity with kernel centers,
    # then modulate channels by the assignment-weighted per-kernel channel weights.
    logits = jnp.einsum('bec,kc->bek', x_j, centers)          # [2, E, K]
    assign = jax.nn.softmax(logits, axis=-1)                  # [2, E, K]
    w_eff = jnp.einsum('bek,kc->bec', assign, weights)        # [2, E, C]
    out = x_j * w_eff                                         # [2, E, C]
    return out

if __name__ == "__main__":
    import jax
    _d = setup_inputs()
    print(jax.jit(kernel)(*tuple(_d.values())))

</pallas_src>

<mosaic_0001>
#map = affine_map<(d0, d1) -> (0, 0)>
module attributes {stable_mosaic.version = 14 : i64} {
  func.func @gather_k(%arg0: i32, %arg1: i32, %arg2: memref<10000x128xf32, #tpu.memory_space<hbm>>, %arg3: memref<32x10000xi32, #tpu.memory_space<hbm>>, %arg4: memref<320000x128xf32, #tpu.memory_space<hbm>>, %arg5: memref<10000xi32, #tpu.memory_space<vmem>>, %arg6: memref<5x40x128xf32, #tpu.memory_space<vmem>>, %arg7: memref<10000x128xf32, #tpu.memory_space<vmem_shared>>, %arg8: memref<!tpu.dma_semaphore, #tpu.memory_space<semaphore_mem>>, %arg9: memref<!tpu.dma_semaphore, #tpu.memory_space<semaphore_mem>>, %arg10: memref<!tpu.dma_semaphore, #tpu.memory_space<semaphore_mem>>, %arg11: memref<!tpu.dma_semaphore, #tpu.memory_space<semaphore_mem>>, %arg12: memref<!tpu.dma_semaphore, #tpu.memory_space<semaphore_mem>>, %arg13: memref<!tpu.dma_semaphore, #tpu.memory_space<semaphore_mem>>, %arg14: memref<!tpu.dma_semaphore, #tpu.memory_space<semaphore_mem>>, %arg15: memref<!tpu.dma_semaphore, #tpu.memory_space<semaphore_mem>>, %arg16: memref<!tpu.dma_semaphore, #tpu.memory_space<semaphore_mem>>, %arg17: memref<!tpu.dma_semaphore, #tpu.memory_space<semaphore_mem>>) attributes {dimension_semantics = [#tpu.dimension_semantics<core_parallel>, #tpu.dimension_semantics<subcore_parallel>], iteration_bounds = array<i64: 2, 16>, scalar_prefetch = 0 : i64, scratch_operands = 13 : i64, tpu.core_type = #tpu.core_type<sc_vector_subcore>, window_params = [{transform_indices = #map}, {transform_indices = #map}, {transform_indices = #map}]} {
    %mul3A = arith.constant 2 : i32
    %mul3A_0 = arith.muli %arg1, %mul3A : i32
    %add3A = arith.addi %mul3A_0, %arg0 : i32
    %mul3A_1 = arith.constant 10000 : i32
    %mul3A_2 = arith.muli %add3A, %mul3A_1 : i32
    %lt3A = arith.constant 15 : i32
    %lt3A_3 = arith.cmpi slt, %arg1, %lt3A : i32
    %convert_element_type3A = arith.extui %lt3A_3 : i1 to i32
    %cond3A = arith.constant 0 : i32
    %cond3A_4 = arith.cmpi ne, %convert_element_type3A, %cond3A : i32
    scf.if %cond3A_4 {
      %mul3A_137 = arith.constant 624 : i32
      %mul3A_138 = arith.muli %arg1, %mul3A_137 : i32
      %mul3A_139 = arith.constant 624 : i32
      %mul3A_140 = arith.muli %arg1, %mul3A_139 : i32
      "tpu.region"() ({
        %run_scoped3A = tpu.sem_alloc : memref<!tpu.dma_semaphore, #tpu.memory_space<semaphore_mem>>
        %dma_start3A_141 = arith.constant 0 : i32
        %dma_start3A_142 = tpu.memref_slice %arg7[%mul3A_140, %dma_start3A_141] : memref<10000x128xf32, #tpu.memory_space<vmem_shared>> -> memref<624x128xf32, #tpu.memory_space<vmem_shared>>
        %dma_start3A_143 = arith.constant 0 : i32
        %dma_start3A_144 = tpu.memref_slice %arg2[%mul3A_138, %dma_start3A_143] : memref<10000x128xf32, #tpu.memory_space<hbm>> -> memref<624x128xf32, #tpu.memory_space<hbm>>
        tpu.enqueue_dma source(%dma_start3A_144 : memref<624x128xf32, #tpu.memory_space<hbm>>) target(%dma_start3A_142 : memref<624x128xf32, #tpu.memory_space<vmem_shared>>) target_semaphore(%run_scoped3A : memref<!tpu.dma_semaphore, #tpu.memory_space<semaphore_mem>>)
        %dma_wait3A_145 = arith.constant 0 : i32
        %dma_wait3A_146 = tpu.memref_slice %arg7[%mul3A_140, %dma_wait3A_145] : memref<10000x128xf32, #tpu.memory_space<vmem_shared>> -> memref<624x128xf32, #tpu.memory_space<vmem_shared>>
        %dma_wait3A_147 = arith.constant 0 : i32
        %dma_wait3A_148 = tpu.memref_slice %arg2[%mul3A_138, %dma_wait3A_147] : memref<10000x128xf32, #tpu.memory_space<hbm>> -> memref<624x128xf32, #tpu.memory_space<hbm>>
        tpu.wait_dma2 semaphore(%run_scoped3A : memref<!tpu.dma_semaphore, #tpu.memory_space<semaphore_mem>>) src(%dma_wait3A_148 : memref<624x128xf32, #tpu.memory_space<hbm>>) dst(%dma_wait3A_146 : memref<624x128xf32, #tpu.memory_space<vmem_shared>>)
        tpu.yield
      }) : () -> ()
    } else {
    }
    %eq3A = arith.constant 15 : i32
    %eq3A_5 = arith.cmpi eq, %arg1, %eq3A : i32
    %convert_element_type3A_6 = arith.extui %eq3A_5 : i1 to i32
    %cond3A_7 = arith.constant 0 : i32
    %cond3A_8 = arith.cmpi ne, %convert_element_type3A_6, %cond3A_7 : i32
    scf.if %cond3A_8 {
      "tpu.region"() ({
        %run_scoped3A = tpu.sem_alloc : memref<!tpu.dma_semaphore, #tpu.memory_space<semaphore_mem>>
        %dma_start3A_137 = arith.constant 9360 : i32
        %dma_start3A_138 = arith.constant 0 : i32
        %dma_start3A_139 = tpu.memref_slice %arg7[%dma_start3A_137, %dma_start3A_138] : memref<10000x128xf32, #tpu.memory_space<vmem_shared>> -> memref<640x128xf32, #tpu.memory_space<vmem_shared>>
        %dma_start3A_140 = arith.constant 9360 : i32
        %dma_start3A_141 = arith.constant 0 : i32
        %dma_start3A_142 = tpu.memref_slice %arg2[%dma_start3A_140, %dma_start3A_141] : memref<10000x128xf32, #tpu.memory_space<hbm>> -> memref<640x128xf32, #tpu.memory_space<hbm>>
        tpu.enqueue_dma source(%dma_start3A_142 : memref<640x128xf32, #tpu.memory_space<hbm>>) target(%dma_start3A_139 : memref<640x128xf32, #tpu.memory_space<vmem_shared>>) target_semaphore(%run_scoped3A : memref<!tpu.dma_semaphore, #tpu.memory_space<semaphore_mem>>)
        %dma_wait3A_143 = arith.constant 9360 : i32
        %dma_wait3A_144 = arith.constant 0 : i32
        %dma_wait3A_145 = tpu.memref_slice %arg7[%dma_wait3A_143, %dma_wait3A_144] : memref<10000x128xf32, #tpu.memory_space<vmem_shared>> -> memref<640x128xf32, #tpu.memory_space<vmem_shared>>
        %dma_wait3A_146 = arith.constant 9360 : i32
        %dma_wait3A_147 = arith.constant 0 : i32
        %dma_wait3A_148 = tpu.memref_slice %arg2[%dma_wait3A_146, %dma_wait3A_147] : memref<10000x128xf32, #tpu.memory_space<hbm>> -> memref<640x128xf32, #tpu.memory_space<hbm>>
        tpu.wait_dma2 semaphore(%run_scoped3A : memref<!tpu.dma_semaphore, #tpu.memory_space<semaphore_mem>>) src(%dma_wait3A_148 : memref<640x128xf32, #tpu.memory_space<hbm>>) dst(%dma_wait3A_145 : memref<640x128xf32, #tpu.memory_space<vmem_shared>>)
        tpu.yield
      }) : () -> ()
    } else {
    }
    "tpu.region"() ({
      %run_scoped3A = tpu.sem_alloc : memref<!tpu.dma_semaphore, #tpu.memory_space<semaphore_mem>>
      %dma_start3A_137 = arith.constant 0 : i32
      %dma_start3A_138 = tpu.memref_slice %arg3[%add3A, %dma_start3A_137] : memref<32x10000xi32, #tpu.memory_space<hbm>> -> memref<1x10000xi32, #tpu.memory_space<hbm>>
      %dma_start3A_139 = tpu.memref_squeeze %dma_start3A_138 : memref<1x10000xi32, #tpu.memory_space<hbm>> -> memref<10000xi32, #tpu.memory_space<hbm>>
      %dma_start3A_140 = arith.constant 0 : i32
      %dma_start3A_141 = tpu.memref_slice %arg3[%add3A, %dma_start3A_140] : memref<32x10000xi32, #tpu.memory_space<hbm>> -> memref<1x10000xi32, #tpu.memory_space<hbm>>
      %dma_start3A_142 = tpu.memref_squeeze %dma_start3A_141 : memref<1x10000xi32, #tpu.memory_space<hbm>> -> memref<10000xi32, #tpu.memory_space<hbm>>
      tpu.enqueue_dma source(%dma_start3A_142 : memref<10000xi32, #tpu.memory_space<hbm>>) target(%arg5 : memref<10000xi32, #tpu.memory_space<vmem>>) target_semaphore(%run_scoped3A : memref<!tpu.dma_semaphore, #tpu.memory_space<semaphore_mem>>)
      %dma_wait3A_143 = arith.constant 0 : i32
      %dma_wait3A_144 = tpu.memref_slice %arg3[%add3A, %dma_wait3A_143] : memref<32x10000xi32, #tpu.memory_space<hbm>> -> memref<1x10000xi32, #tpu.memory_space<hbm>>
      %dma_wait3A_145 = tpu.memref_squeeze %dma_wait3A_144 : memref<1x10000xi32, #tpu.memory_space<hbm>> -> memref<10000xi32, #tpu.memory_space<hbm>>
      %dma_wait3A_146 = arith.constant 0 : i32
      %dma_wait3A_147 = tpu.memref_slice %arg3[%add3A, %dma_wait3A_146] : memref<32x10000xi32, #tpu.memory_space<hbm>> -> memref<1x10000xi32, #tpu.memory_space<hbm>>
      %dma_wait3A_148 = tpu.memref_squeeze %dma_wait3A_147 : memref<1x10000xi32, #tpu.memory_space<hbm>> -> memref<10000xi32, #tpu.memory_space<hbm>>
      tpu.wait_dma2 semaphore(%run_scoped3A : memref<!tpu.dma_semaphore, #tpu.memory_space<semaphore_mem>>) src(%dma_wait3A_148 : memref<10000xi32, #tpu.memory_space<hbm>>) dst(%arg5 : memref<10000xi32, #tpu.memory_space<vmem>>)
      tpu.yield
    }) : () -> ()
    %barrier3A = arith.constant 0 : index
    tpu.barrier barrier_id(%barrier3A)
    %dma_start3A = arith.constant 0 : i32
    %dma_start3A_9 = arith.constant 0 : i32
    %dma_start3A_10 = arith.constant 0 : i32
    %dma_start3A_11 = tpu.memref_slice %arg6[%dma_start3A, %dma_start3A_9, %dma_start3A_10] : memref<5x40x128xf32, #tpu.memory_space<vmem>> -> memref<1x40x128xf32, #tpu.memory_space<vmem>>
    %dma_start3A_12 = tpu.memref_squeeze %dma_start3A_11 : memref<1x40x128xf32, #tpu.memory_space<vmem>> -> memref<40x128xf32, #tpu.memory_space<vmem>>
    %dma_start3A_13 = arith.constant 0 : i32
    %dma_start3A_14 = tpu.memref_slice %arg5[%dma_start3A_13] : memref<10000xi32, #tpu.memory_space<vmem>> -> memref<40xi32, #tpu.memory_space<vmem>>
    %dma_start3A_15 = arith.constant 0 : i32
    %dma_start3A_16 = arith.constant 0 : i32
    %dma_start3A_17 = tpu.memref_slice %arg7[%dma_start3A_15, %dma_start3A_16] : memref<10000x128xf32, #tpu.memory_space<vmem_shared>> -> memref<10000x128xf32, #tpu.memory_space<vmem_shared>>
    tpu.enqueue_indirect_dma source(%dma_start3A_17 : memref<10000x128xf32, #tpu.memory_space<vmem_shared>>) target(%dma_start3A_12 : memref<40x128xf32, #tpu.memory_space<vmem>>) offsets(%dma_start3A_14 : memref<40xi32, #tpu.memory_space<vmem>>) semaphore(%arg8 : memref<!tpu.dma_semaphore, #tpu.memory_space<semaphore_mem>>)
    %dma_start3A_18 = arith.constant 1 : i32
    %dma_start3A_19 = arith.constant 0 : i32
    %dma_start3A_20 = arith.constant 0 : i32
    %dma_start3A_21 = tpu.memref_slice %arg6[%dma_start3A_18, %dma_start3A_19, %dma_start3A_20] : memref<5x40x128xf32, #tpu.memory_space<vmem>> -> memref<1x40x128xf32, #tpu.memory_space<vmem>>
    %dma_start3A_22 = tpu.memref_squeeze %dma_start3A_21 : memref<1x40x128xf32, #tpu.memory_space<vmem>> -> memref<40x128xf32, #tpu.memory_space<vmem>>
    %dma_start3A_23 = arith.constant 40 : i32
    %dma_start3A_24 = tpu.memref_slice %arg5[%dma_start3A_23] : memref<10000xi32, #tpu.memory_space<vmem>> -> memref<40xi32, #tpu.memory_space<vmem>>
    %dma_start3A_25 = arith.constant 0 : i32
    %dma_start3A_26 = arith.constant 0 : i32
    %dma_start3A_27 = tpu.memref_slice %arg7[%dma_start3A_25, %dma_start3A_26] : memref<10000x128xf32, #tpu.memory_space<vmem_shared>> -> memref<10000x128xf32, #tpu.memory_space<vmem_shared>>
    tpu.enqueue_indirect_dma source(%dma_start3A_27 : memref<10000x128xf32, #tpu.memory_space<vmem_shared>>) target(%dma_start3A_22 : memref<40x128xf32, #tpu.memory_space<vmem>>) offsets(%dma_start3A_24 : memref<40xi32, #tpu.memory_space<vmem>>) semaphore(%arg9 : memref<!tpu.dma_semaphore, #tpu.memory_space<semaphore_mem>>)
    %dma_start3A_28 = arith.constant 2 : i32
    %dma_start3A_29 = arith.constant 0 : i32
    %dma_start3A_30 = arith.constant 0 : i32
    %dma_start3A_31 = tpu.memref_slice %arg6[%dma_start3A_28, %dma_start3A_29, %dma_start3A_30] : memref<5x40x128xf32, #tpu.memory_space<vmem>> -> memref<1x40x128xf32, #tpu.memory_space<vmem>>
    %dma_start3A_32 = tpu.memref_squeeze %dma_start3A_31 : memref<1x40x128xf32, #tpu.memory_space<vmem>> -> memref<40x128xf32, #tpu.memory_space<vmem>>
    %dma_start3A_33 = arith.constant 80 : i32
    %dma_start3A_34 = tpu.memref_slice %arg5[%dma_start3A_33] : memref<10000xi32, #tpu.memory_space<vmem>> -> memref<40xi32, #tpu.memory_space<vmem>>
    %dma_start3A_35 = arith.constant 0 : i32
    %dma_start3A_36 = arith.constant 0 : i32
    %dma_start3A_37 = tpu.memref_slice %arg7[%dma_start3A_35, %dma_start3A_36] : memref<10000x128xf32, #tpu.memory_space<vmem_shared>> -> memref<10000x128xf32, #tpu.memory_space<vmem_shared>>
    tpu.enqueue_indirect_dma source(%dma_start3A_37 : memref<10000x128xf32, #tpu.memory_space<vmem_shared>>) target(%dma_start3A_32 : memref<40x128xf32, #tpu.memory_space<vmem>>) offsets(%dma_start3A_34 : memref<40xi32, #tpu.memory_space<vmem>>) semaphore(%arg10 : memref<!tpu.dma_semaphore, #tpu.memory_space<semaphore_mem>>)
    %dma_start3A_38 = arith.constant 3 : i32
    %dma_start3A_39 = arith.constant 0 : i32
    %dma_start3A_40 = arith.constant 0 : i32
    %dma_start3A_41 = tpu.memref_slice %arg6[%dma_start3A_38, %dma_start3A_39, %dma_start3A_40] : memref<5x40x128xf32, #tpu.memory_space<vmem>> -> memref<1x40x128xf32, #tpu.memory_space<vmem>>
    %dma_start3A_42 = tpu.memref_squeeze %dma_start3A_41 : memref<1x40x128xf32, #tpu.memory_space<vmem>> -> memref<40x128xf32, #tpu.memory_space<vmem>>
    %dma_start3A_43 = arith.constant 120 : i32
    %dma_start3A_44 = tpu.memref_slice %arg5[%dma_start3A_43] : memref<10000xi32, #tpu.memory_space<vmem>> -> memref<40xi32, #tpu.memory_space<vmem>>
    %dma_start3A_45 = arith.constant 0 : i32
    %dma_start3A_46 = arith.constant 0 : i32
    %dma_start3A_47 = tpu.memref_slice %arg7[%dma_start3A_45, %dma_start3A_46] : memref<10000x128xf32, #tpu.memory_space<vmem_shared>> -> memref<10000x128xf32, #tpu.memory_space<vmem_shared>>
    tpu.enqueue_indirect_dma source(%dma_start3A_47 : memref<10000x128xf32, #tpu.memory_space<vmem_shared>>) target(%dma_start3A_42 : memref<40x128xf32, #tpu.memory_space<vmem>>) offsets(%dma_start3A_44 : memref<40xi32, #tpu.memory_space<vmem>>) semaphore(%arg11 : memref<!tpu.dma_semaphore, #tpu.memory_space<semaphore_mem>>)
    %dma_start3A_48 = arith.constant 4 : i32
    %dma_start3A_49 = arith.constant 0 : i32
    %dma_start3A_50 = arith.constant 0 : i32
    %dma_start3A_51 = tpu.memref_slice %arg6[%dma_start3A_48, %dma_start3A_49, %dma_start3A_50] : memref<5x40x128xf32, #tpu.memory_space<vmem>> -> memref<1x40x128xf32, #tpu.memory_space<vmem>>
    %dma_start3A_52 = tpu.memref_squeeze %dma_start3A_51 : memref<1x40x128xf32, #tpu.memory_space<vmem>> -> memref<40x128xf32, #tpu.memory_space<vmem>>
    %dma_start3A_53 = arith.constant 160 : i32
    %dma_start3A_54 = tpu.memref_slice %arg5[%dma_start3A_53] : memref<10000xi32, #tpu.memory_space<vmem>> -> memref<40xi32, #tpu.memory_space<vmem>>
    %dma_start3A_55 = arith.constant 0 : i32
    %dma_start3A_56 = arith.constant 0 : i32
    %dma_start3A_57 = tpu.memref_slice %arg7[%dma_start3A_55, %dma_start3A_56] : memref<10000x128xf32, #tpu.memory_space<vmem_shared>> -> memref<10000x128xf32, #tpu.memory_space<vmem_shared>>
    tpu.enqueue_indirect_dma source(%dma_start3A_57 : memref<10000x128xf32, #tpu.memory_space<vmem_shared>>) target(%dma_start3A_52 : memref<40x128xf32, #tpu.memory_space<vmem>>) offsets(%dma_start3A_54 : memref<40xi32, #tpu.memory_space<vmem>>) semaphore(%arg12 : memref<!tpu.dma_semaphore, #tpu.memory_space<semaphore_mem>>)
    %scan3A = arith.constant 0 : i32
    %scan3A_58 = arith.constant 0 : i32
    %scan3A_59 = arith.constant 50 : i32
    %scan3A_60 = arith.addi %scan3A_58, %scan3A_59 : i32
    %scan3A_61 = arith.constant 1 : i32
    scf.for %scan3A_137 = %scan3A_58 to %scan3A_60 step %scan3A_61  : i32 {
      %mul3A_138 = arith.constant 5 : i32
      %mul3A_139 = arith.muli %scan3A_137, %mul3A_138 : i32
      %dma_wait3A_140 = arith.constant 0 : i32
      %dma_wait3A_141 = arith.constant 0 : i32
      %dma_wait3A_142 = arith.constant 0 : i32
      %dma_wait3A_143 = tpu.memref_slice %arg6[%dma_wait3A_140, %dma_wait3A_141, %dma_wait3A_142] : memref<5x40x128xf32, #tpu.memory_space<vmem>> -> memref<1x40x128xf32, #tpu.memory_space<vmem>>
      %dma_wait3A_144 = tpu.memref_squeeze %dma_wait3A_143 : memref<1x40x128xf32, #tpu.memory_space<vmem>> -> memref<40x128xf32, #tpu.memory_space<vmem>>
      %dma_wait3A_145 = arith.constant 0 : i32
      %dma_wait3A_146 = arith.constant 0 : i32
      %dma_wait3A_147 = tpu.memref_slice %arg2[%dma_wait3A_145, %dma_wait3A_146] : memref<10000x128xf32, #tpu.memory_space<hbm>> -> memref<40x128xf32, #tpu.memory_space<hbm>>
      %dma_wait3A_148 = arith.constant 0 : i32
      %dma_wait3A_149 = arith.constant 0 : i32
      %dma_wait3A_150 = tpu.memref_slice %arg6[%dma_wait3A_140, %dma_wait3A_148, %dma_wait3A_149] : memref<5x40x128xf32, #tpu.memory_space<vmem>> -> memref<1x40x128xf32, #tpu.memory_space<vmem>>
      %dma_wait3A_151 = tpu.memref_squeeze %dma_wait3A_150 : memref<1x40x128xf32, #tpu.memory_space<vmem>> -> memref<40x128xf32, #tpu.memory_space<vmem>>
      %dma_wait3A_152 = arith.constant 0 : i32
      %dma_wait3A_153 = arith.constant 0 : i32
      %dma_wait3A_154 = tpu.memref_slice %arg2[%dma_wait3A_152, %dma_wait3A_153] : memref<10000x128xf32, #tpu.memory_space<hbm>> -> memref<40x128xf32, #tpu.memory_space<hbm>>
      tpu.wait_dma2 semaphore(%arg8 : memref<!tpu.dma_semaphore, #tpu.memory_space<semaphore_mem>>) src(%dma_wait3A_154 : memref<40x128xf32, #tpu.memory_space<hbm>>) dst(%dma_wait3A_151 : memref<40x128xf32, #tpu.memory_space<vmem>>)
      %add3A_155 = arith.constant 0 : i32
      %add3A_156 = arith.addi %mul3A_139, %add3A_155 : i32
      %mul3A_157 = arith.constant 40 : i32
      %mul3A_158 = arith.muli %add3A_156, %mul3A_157 : i32
      %add3A_159 = arith.addi %mul3A_2, %mul3A_158 : i32
      %dma_start3A_160 = arith.constant 0 : i32
      %dma_start3A_161 = arith.constant 0 : i32
      %dma_start3A_162 = arith.constant 0 : i32
      %dma_start3A_163 = tpu.memref_slice %arg6[%dma_start3A_160, %dma_start3A_161, %dma_start3A_162] : memref<5x40x128xf32, #tpu.memory_space<vmem>> -> memref<1x40x128xf32, #tpu.memory_space<vmem>>
      %dma_start3A_164 = tpu.memref_squeeze %dma_start3A_163 : memref<1x40x128xf32, #tpu.memory_space<vmem>> -> memref<40x128xf32, #tpu.memory_space<vmem>>
      %dma_start3A_165 = arith.constant 0 : i32
      %dma_start3A_166 = tpu.memref_slice %arg4[%add3A_159, %dma_start3A_165] : memref<320000x128xf32, #tpu.memory_space<hbm>> -> memref<40x128xf32, #tpu.memory_space<hbm>>
      %dma_start3A_167 = arith.constant 0 : i32
      %dma_start3A_168 = tpu.memref_slice %arg4[%add3A_159, %dma_start3A_167] : memref<320000x128xf32, #tpu.memory_space<hbm>> -> memref<40x128xf32, #tpu.memory_space<hbm>>
      %dma_start3A_169 = arith.constant 0 : i32
      %dma_start3A_170 = arith.constant 0 : i32
      %dma_start3A_171 = tpu.memref_slice %arg6[%dma_start3A_160, %dma_start3A_169, %dma_start3A_170] : memref<5x40x128xf32, #tpu.memory_space<vmem>> -> memref<1x40x128xf32, #tpu.memory_space<vmem>>
      %dma_start3A_172 = tpu.memref_squeeze %dma_start3A_171 : memref<1x40x128xf32, #tpu.memory_space<vmem>> -> memref<40x128xf32, #tpu.memory_space<vmem>>
      tpu.enqueue_dma source(%dma_start3A_172 : memref<40x128xf32, #tpu.memory_space<vmem>>) target(%dma_start3A_168 : memref<40x128xf32, #tpu.memory_space<hbm>>) target_semaphore(%arg13 : memref<!tpu.dma_semaphore, #tpu.memory_space<semaphore_mem>>)
      %dma_wait3A_173 = arith.constant 1 : i32
      %dma_wait3A_174 = arith.constant 0 : i32
      %dma_wait3A_175 = arith.constant 0 : i32
      %dma_wait3A_176 = tpu.memref_slice %arg6[%dma_wait3A_173, %dma_wait3A_174, %dma_wait3A_175] : memref<5x40x128xf32, #tpu.memory_space<vmem>> -> memref<1x40x128xf32, #tpu.memory_space<vmem>>
      %dma_wait3A_177 = tpu.memref_squeeze %dma_wait3A_176 : memref<1x40x128xf32, #tpu.memory_space<vmem>> -> memref<40x128xf32, #tpu.memory_space<vmem>>
      %dma_wait3A_178 = arith.constant 0 : i32
      %dma_wait3A_179 = arith.constant 0 : i32
      %dma_wait3A_180 = tpu.memref_slice %arg2[%dma_wait3A_178, %dma_wait3A_179] : memref<10000x128xf32, #tpu.memory_space<hbm>> -> memref<40x128xf32, #tpu.memory_space<hbm>>
      %dma_wait3A_181 = arith.constant 0 : i32
      %dma_wait3A_182 = arith.constant 0 : i32
      %dma_wait3A_183 = tpu.memref_slice %arg6[%dma_wait3A_173, %dma_wait3A_181, %dma_wait3A_182] : memref<5x40x128xf32, #tpu.memory_space<vmem>> -> memref<1x40x128xf32, #tpu.memory_space<vmem>>
      %dma_wait3A_184 = tpu.memref_squeeze %dma_wait3A_183 : memref<1x40x128xf32, #tpu.memory_space<vmem>> -> memref<40x128xf32, #tpu.memory_space<vmem>>
      %dma_wait3A_185 = arith.constant 0 : i32
      %dma_wait3A_186 = arith.constant 0 : i32
      %dma_wait3A_187 = tpu.memref_slice %arg2[%dma_wait3A_185, %dma_wait3A_186] : memref<10000x128xf32, #tpu.memory_space<hbm>> -> memref<40x128xf32, #tpu.memory_space<hbm>>
      tpu.wait_dma2 semaphore(%arg9 : memref<!tpu.dma_semaphore, #tpu.memory_space<semaphore_mem>>) src(%dma_wait3A_187 : memref<40x128xf32, #tpu.memory_space<hbm>>) dst(%dma_wait3A_184 : memref<40x128xf32, #tpu.memory_space<vmem>>)
      %add3A_188 = arith.constant 1 : i32
      %add3A_189 = arith.addi %mul3A_139, %add3A_188 : i32
      %mul3A_190 = arith.constant 40 : i32
      %mul3A_191 = arith.muli %add3A_189, %mul3A_190 : i32
      %add3A_192 = arith.addi %mul3A_2, %mul3A_191 : i32
      %dma_start3A_193 = arith.constant 1 : i32
      %dma_start3A_194 = arith.constant 0 : i32
      %dma_start3A_195 = arith.constant 0 : i32
      %dma_start3A_196 = tpu.memref_slice %arg6[%dma_start3A_193, %dma_start3A_194, %dma_start3A_195] : memref<5x40x128xf32, #tpu.memory_space<vmem>> -> memref<1x40x128xf32, #tpu.memory_space<vmem>>
      %dma_start3A_197 = tpu.memref_squeeze %dma_start3A_196 : memref<1x40x128xf32, #tpu.memory_space<vmem>> -> memref<40x128xf32, #tpu.memory_space<vmem>>
      %dma_start3A_198 = arith.constant 0 : i32
      %dma_start3A_199 = tpu.memref_slice %arg4[%add3A_192, %dma_start3A_198] : memref<320000x128xf32, #tpu.memory_space<hbm>> -> memref<40x128xf32, #tpu.memory_space<hbm>>
      %dma_start3A_200 = arith.constant 0 : i32
      %dma_start3A_201 = tpu.memref_slice %arg4[%add3A_192, %dma_start3A_200] : memref<320000x128xf32, #tpu.memory_space<hbm>> -> memref<40x128xf32, #tpu.memory_space<hbm>>
      %dma_start3A_202 = arith.constant 0 : i32
      %dma_start3A_203 = arith.constant 0 : i32
      %dma_start3A_204 = tpu.memref_slice %arg6[%dma_start3A_193, %dma_start3A_202, %dma_start3A_203] : memref<5x40x128xf32, #tpu.memory_space<vmem>> -> memref<1x40x128xf32, #tpu.memory_space<vmem>>
      %dma_start3A_205 = tpu.memref_squeeze %dma_start3A_204 : memref<1x40x128xf32, #tpu.memory_space<vmem>> -> memref<40x128xf32, #tpu.memory_space<vmem>>
      tpu.enqueue_dma source(%dma_start3A_205 : memref<40x128xf32, #tpu.memory_space<vmem>>) target(%dma_start3A_201 : memref<40x128xf32, #tpu.memory_space<hbm>>) target_semaphore(%arg14 : memref<!tpu.dma_semaphore, #tpu.memory_space<semaphore_mem>>)
      %dma_wait3A_206 = arith.constant 2 : i32
      %dma_wait3A_207 = arith.constant 0 : i32
      %dma_wait3A_208 = arith.constant 0 : i32
      %dma_wait3A_209 = tpu.memref_slice %arg6[%dma_wait3A_206, %dma_wait3A_207, %dma_wait3A_208] : memref<5x40x128xf32, #tpu.memory_space<vmem>> -> memref<1x40x128xf32, #tpu.memory_space<vmem>>
      %dma_wait3A_210 = tpu.memref_squeeze %dma_wait3A_209 : memref<1x40x128xf32, #tpu.memory_space<vmem>> -> memref<40x128xf32, #tpu.memory_space<vmem>>
      %dma_wait3A_211 = arith.constant 0 : i32
      %dma_wait3A_212 = arith.constant 0 : i32
      %dma_wait3A_213 = tpu.memref_slice %arg2[%dma_wait3A_211, %dma_wait3A_212] : memref<10000x128xf32, #tpu.memory_space<hbm>> -> memref<40x128xf32, #tpu.memory_space<hbm>>
      %dma_wait3A_214 = arith.constant 0 : i32
      %dma_wait3A_215 = arith.constant 0 : i32
      %dma_wait3A_216 = tpu.memref_slice %arg6[%dma_wait3A_206, %dma_wait3A_214, %dma_wait3A_215] : memref<5x40x128xf32, #tpu.memory_space<vmem>> -> memref<1x40x128xf32, #tpu.memory_space<vmem>>
      %dma_wait3A_217 = tpu.memref_squeeze %dma_wait3A_216 : memref<1x40x128xf32, #tpu.memory_space<vmem>> -> memref<40x128xf32, #tpu.memory_space<vmem>>
      %dma_wait3A_218 = arith.constant 0 : i32
      %dma_wait3A_219 = arith.constant 0 : i32
      %dma_wait3A_220 = tpu.memref_slice %arg2[%dma_wait3A_218, %dma_wait3A_219] : memref<10000x128xf32, #tpu.memory_space<hbm>> -> memref<40x128xf32, #tpu.memory_space<hbm>>
      tpu.wait_dma2 semaphore(%arg10 : memref<!tpu.dma_semaphore, #tpu.memory_space<semaphore_mem>>) src(%dma_wait3A_220 : memref<40x128xf32, #tpu.memory_space<hbm>>) dst(%dma_wait3A_217 : memref<40x128xf32, #tpu.memory_space<vmem>>)
      %add3A_221 = arith.constant 2 : i32
      %add3A_222 = arith.addi %mul3A_139, %add3A_221 : i32
      %mul3A_223 = arith.constant 40 : i32
      %mul3A_224 = arith.muli %add3A_222, %mul3A_223 : i32
      %add3A_225 = arith.addi %mul3A_2, %mul3A_224 : i32
      %dma_start3A_226 = arith.constant 2 : i32
      %dma_start3A_227 = arith.constant 0 : i32
      %dma_start3A_228 = arith.constant 0 : i32
      %dma_start3A_229 = tpu.memref_slice %arg6[%dma_start3A_226, %dma_start3A_227, %dma_start3A_228] : memref<5x40x128xf32, #tpu.memory_space<vmem>> -> memref<1x40x128xf32, #tpu.memory_space<vmem>>
      %dma_start3A_230 = tpu.memref_squeeze %dma_start3A_229 : memref<1x40x128xf32, #tpu.memory_space<vmem>> -> memref<40x128xf32, #tpu.memory_space<vmem>>
      %dma_start3A_231 = arith.constant 0 : i32
      %dma_start3A_232 = tpu.memref_slice %arg4[%add3A_225, %dma_start3A_231] : memref<320000x128xf32, #tpu.memory_space<hbm>> -> memref<40x128xf32, #tpu.memory_space<hbm>>
      %dma_start3A_233 = arith.constant 0 : i32
      %dma_start3A_234 = tpu.memref_slice %arg4[%add3A_225, %dma_start3A_233] : memref<320000x128xf32, #tpu.memory_space<hbm>> -> memref<40x128xf32, #tpu.memory_space<hbm>>
      %dma_start3A_235 = arith.constant 0 : i32
      %dma_start3A_236 = arith.constant 0 : i32
      %dma_start3A_237 = tpu.memref_slice %arg6[%dma_start3A_226, %dma_start3A_235, %dma_start3A_236] : memref<5x40x128xf32, #tpu.memory_space<vmem>> -> memref<1x40x128xf32, #tpu.memory_space<vmem>>
      %dma_start3A_238 = tpu.memref_squeeze %dma_start3A_237 : memref<1x40x128xf32, #tpu.memory_space<vmem>> -> memref<40x128xf32, #tpu.memory_space<vmem>>
      tpu.enqueue_dma source(%dma_start3A_238 : memref<40x128xf32, #tpu.memory_space<vmem>>) target(%dma_start3A_234 : memref<40x128xf32, #tpu.memory_space<hbm>>) target_semaphore(%arg15 : memref<!tpu.dma_semaphore, #tpu.memory_space<semaphore_mem>>)
      %dma_wait3A_239 = arith.constant 3 : i32
      %dma_wait3A_240 = arith.constant 0 : i32
      %dma_wait3A_241 = arith.constant 0 : i32
      %dma_wait3A_242 = tpu.memref_slice %arg6[%dma_wait3A_239, %dma_wait3A_240, %dma_wait3A_241] : memref<5x40x128xf32, #tpu.memory_space<vmem>> -> memref<1x40x128xf32, #tpu.memory_space<vmem>>
      %dma_wait3A_243 = tpu.memref_squeeze %dma_wait3A_242 : memref<1x40x128xf32, #tpu.memory_space<vmem>> -> memref<40x128xf32, #tpu.memory_space<vmem>>
      %dma_wait3A_244 = arith.constant 0 : i32
      %dma_wait3A_245 = arith.constant 0 : i32
      %dma_wait3A_246 = tpu.memref_slice %arg2[%dma_wait3A_244, %dma_wait3A_245] : memref<10000x128xf32, #tpu.memory_space<hbm>> -> memref<40x128xf32, #tpu.memory_space<hbm>>
      %dma_wait3A_247 = arith.constant 0 : i32
      %dma_wait3A_248 = arith.constant 0 : i32
      %dma_wait3A_249 = tpu.memref_slice %arg6[%dma_wait3A_239, %dma_wait3A_247, %dma_wait3A_248] : memref<5x40x128xf32, #tpu.memory_space<vmem>> -> memref<1x40x128xf32, #tpu.memory_space<vmem>>
      %dma_wait3A_250 = tpu.memref_squeeze %dma_wait3A_249 : memref<1x40x128xf32, #tpu.memory_space<vmem>> -> memref<40x128xf32, #tpu.memory_space<vmem>>
      %dma_wait3A_251 = arith.constant 0 : i32
      %dma_wait3A_252 = arith.constant 0 : i32
      %dma_wait3A_253 = tpu.memref_slice %arg2[%dma_wait3A_251, %dma_wait3A_252] : memref<10000x128xf32, #tpu.memory_space<hbm>> -> memref<40x128xf32, #tpu.memory_space<hbm>>
      tpu.wait_dma2 semaphore(%arg11 : memref<!tpu.dma_semaphore, #tpu.memory_space<semaphore_mem>>) src(%dma_wait3A_253 : memref<40x128xf32, #tpu.memory_space<hbm>>) dst(%dma_wait3A_250 : memref<40x128xf32, #tpu.memory_space<vmem>>)
      %add3A_254 = arith.constant 3 : i32
      %add3A_255 = arith.addi %mul3A_139, %add3A_254 : i32
      %mul3A_256 = arith.constant 40 : i32
      %mul3A_257 = arith.muli %add3A_255, %mul3A_256 : i32
      %add3A_258 = arith.addi %mul3A_2, %mul3A_257 : i32
      %dma_start3A_259 = arith.constant 3 : i32
      %dma_start3A_260 = arith.constant 0 : i32
      %dma_start3A_261 = arith.constant 0 : i32
      %dma_start3A_262 = tpu.memref_slice %arg6[%dma_start3A_259, %dma_start3A_260, %dma_start3A_261] : memref<5x40x128xf32, #tpu.memory_space<vmem>> -> memref<1x40x128xf32, #tpu.memory_space<vmem>>
      %dma_start3A_263 = tpu.memref_squeeze %dma_start3A_262 : memref<1x40x128xf32, #tpu.memory_space<vmem>> -> memref<40x128xf32, #tpu.memory_space<vmem>>
      %dma_start3A_264 = arith.constant 0 : i32
      %dma_start3A_265 = tpu.memref_slice %arg4[%add3A_258, %dma_start3A_264] : memref<320000x128xf32, #tpu.memory_space<hbm>> -> memref<40x128xf32, #tpu.memory_space<hbm>>
      %dma_start3A_266 = arith.constant 0 : i32
      %dma_start3A_267 = tpu.memref_slice %arg4[%add3A_258, %dma_start3A_266] : memref<320000x128xf32, #tpu.memory_space<hbm>> -> memref<40x128xf32, #tpu.memory_space<hbm>>
      %dma_start3A_268 = arith.constant 0 : i32
      %dma_start3A_269 = arith.constant 0 : i32
      %dma_start3A_270 = tpu.memref_slice %arg6[%dma_start3A_259, %dma_start3A_268, %dma_start3A_269] : memref<5x40x128xf32, #tpu.memory_space<vmem>> -> memref<1x40x128xf32, #tpu.memory_space<vmem>>
      %dma_start3A_271 = tpu.memref_squeeze %dma_start3A_270 : memref<1x40x128xf32, #tpu.memory_space<vmem>> -> memref<40x128xf32, #tpu.memory_space<vmem>>
      tpu.enqueue_dma source(%dma_start3A_271 : memref<40x128xf32, #tpu.memory_space<vmem>>) target(%dma_start3A_267 : memref<40x128xf32, #tpu.memory_space<hbm>>) target_semaphore(%arg16 : memref<!tpu.dma_semaphore, #tpu.memory_space<semaphore_mem>>)
      %dma_wait3A_272 = arith.constant 4 : i32
      %dma_wait3A_273 = arith.constant 0 : i32
      %dma_wait3A_274 = arith.constant 0 : i32
      %dma_wait3A_275 = tpu.memref_slice %arg6[%dma_wait3A_272, %dma_wait3A_273, %dma_wait3A_274] : memref<5x40x128xf32, #tpu.memory_space<vmem>> -> memref<1x40x128xf32, #tpu.memory_space<vmem>>
      %dma_wait3A_276 = tpu.memref_squeeze %dma_wait3A_275 : memref<1x40x128xf32, #tpu.memory_space<vmem>> -> memref<40x128xf32, #tpu.memory_space<vmem>>
      %dma_wait3A_277 = arith.constant 0 : i32
      %dma_wait3A_278 = arith.constant 0 : i32
      %dma_wait3A_279 = tpu.memref_slice %arg2[%dma_wait3A_277, %dma_wait3A_278] : memref<10000x128xf32, #tpu.memory_space<hbm>> -> memref<40x128xf32, #tpu.memory_space<hbm>>
      %dma_wait3A_280 = arith.constant 0 : i32
      %dma_wait3A_281 = arith.constant 0 : i32
      %dma_wait3A_282 = tpu.memref_slice %arg6[%dma_wait3A_272, %dma_wait3A_280, %dma_wait3A_281] : memref<5x40x128xf32, #tpu.memory_space<vmem>> -> memref<1x40x128xf32, #tpu.memory_space<vmem>>
      %dma_wait3A_283 = tpu.memref_squeeze %dma_wait3A_282 : memref<1x40x128xf32, #tpu.memory_space<vmem>> -> memref<40x128xf32, #tpu.memory_space<vmem>>
      %dma_wait3A_284 = arith.constant 0 : i32
      %dma_wait3A_285 = arith.constant 0 : i32
      %dma_wait3A_286 = tpu.memref_slice %arg2[%dma_wait3A_284, %dma_wait3A_285] : memref<10000x128xf32, #tpu.memory_space<hbm>> -> memref<40x128xf32, #tpu.memory_space<hbm>>
      tpu.wait_dma2 semaphore(%arg12 : memref<!tpu.dma_semaphore, #tpu.memory_space<semaphore_mem>>) src(%dma_wait3A_286 : memref<40x128xf32, #tpu.memory_space<hbm>>) dst(%dma_wait3A_283 : memref<40x128xf32, #tpu.memory_space<vmem>>)
      %add3A_287 = arith.constant 4 : i32
      %add3A_288 = arith.addi %mul3A_139, %add3A_287 : i32
      %mul3A_289 = arith.constant 40 : i32
      %mul3A_290 = arith.muli %add3A_288, %mul3A_289 : i32
      %add3A_291 = arith.addi %mul3A_2, %mul3A_290 : i32
      %dma_start3A_292 = arith.constant 4 : i32
      %dma_start3A_293 = arith.constant 0 : i32
      %dma_start3A_294 = arith.constant 0 : i32
      %dma_start3A_295 = tpu.memref_slice %arg6[%dma_start3A_292, %dma_start3A_293, %dma_start3A_294] : memref<5x40x128xf32, #tpu.memory_space<vmem>> -> memref<1x40x128xf32, #tpu.memory_space<vmem>>
      %dma_start3A_296 = tpu.memref_squeeze %dma_start3A_295 : memref<1x40x128xf32, #tpu.memory_space<vmem>> -> memref<40x128xf32, #tpu.memory_space<vmem>>
      %dma_start3A_297 = arith.constant 0 : i32
      %dma_start3A_298 = tpu.memref_slice %arg4[%add3A_291, %dma_start3A_297] : memref<320000x128xf32, #tpu.memory_space<hbm>> -> memref<40x128xf32, #tpu.memory_space<hbm>>
      %dma_start3A_299 = arith.constant 0 : i32
      %dma_start3A_300 = tpu.memref_slice %arg4[%add3A_291, %dma_start3A_299] : memref<320000x128xf32, #tpu.memory_space<hbm>> -> memref<40x128xf32, #tpu.memory_space<hbm>>
      %dma_start3A_301 = arith.constant 0 : i32
      %dma_start3A_302 = arith.constant 0 : i32
      %dma_start3A_303 = tpu.memref_slice %arg6[%dma_start3A_292, %dma_start3A_301, %dma_start3A_302] : memref<5x40x128xf32, #tpu.memory_space<vmem>> -> memref<1x40x128xf32, #tpu.memory_space<vmem>>
      %dma_start3A_304 = tpu.memref_squeeze %dma_start3A_303 : memref<1x40x128xf32, #tpu.memory_space<vmem>> -> memref<40x128xf32, #tpu.memory_space<vmem>>
      tpu.enqueue_dma source(%dma_start3A_304 : memref<40x128xf32, #tpu.memory_space<vmem>>) target(%dma_start3A_300 : memref<40x128xf32, #tpu.memory_space<hbm>>) target_semaphore(%arg17 : memref<!tpu.dma_semaphore, #tpu.memory_space<semaphore_mem>>)
      %add3A_305 = arith.constant 1 : i32
      %add3A_306 = arith.addi %scan3A_137, %add3A_305 : i32
      %lt3A_307 = arith.constant 50 : i32
      %lt3A_308 = arith.cmpi slt, %add3A_306, %lt3A_307 : i32
      %convert_element_type3A_309 = arith.extui %lt3A_308 : i1 to i32
      %cond3A_310 = arith.constant 0 : i32
      %cond3A_311 = arith.cmpi ne, %convert_element_type3A_309, %cond3A_310 : i32
      scf.if %cond3A_311 {
        %dma_wait3A_312 = arith.constant 0 : i32
        %dma_wait3A_313 = arith.constant 0 : i32
        %dma_wait3A_314 = arith.constant 0 : i32
        %dma_wait3A_315 = tpu.memref_slice %arg6[%dma_wait3A_312, %dma_wait3A_313, %dma_wait3A_314] : memref<5x40x128xf32, #tpu.memory_space<vmem>> -> memref<1x40x128xf32, #tpu.memory_space<vmem>>
        %dma_wait3A_316 = tpu.memref_squeeze %dma_wait3A_315 : memref<1x40x128xf32, #tpu.memory_space<vmem>> -> memref<40x128xf32, #tpu.memory_space<vmem>>
        %dma_wait3A_317 = arith.constant 0 : i32
        %dma_wait3A_318 = arith.constant 0 : i32
        %dma_wait3A_319 = tpu.memref_slice %arg4[%dma_wait3A_317, %dma_wait3A_318] : memref<320000x128xf32, #tpu.memory_space<hbm>> -> memref<40x128xf32, #tpu.memory_space<hbm>>
        %dma_wait3A_320 = arith.constant 0 : i32
        %dma_wait3A_321 = arith.constant 0 : i32
        %dma_wait3A_322 = tpu.memref_slice %arg4[%dma_wait3A_320, %dma_wait3A_321] : memref<320000x128xf32, #tpu.memory_space<hbm>> -> memref<40x128xf32, #tpu.memory_space<hbm>>
        %dma_wait3A_323 = arith.constant 0 : i32
        %dma_wait3A_324 = arith.constant 0 : i32
        %dma_wait3A_325 = tpu.memref_slice %arg6[%dma_wait3A_312, %dma_wait3A_323, %dma_wait3A_324] : memref<5x40x128xf32, #tpu.memory_space<vmem>> -> memref<1x40x128xf32, #tpu.memory_space<vmem>>
        %dma_wait3A_326 = tpu.memref_squeeze %dma_wait3A_325 : memref<1x40x128xf32, #tpu.memory_space<vmem>> -> memref<40x128xf32, #tpu.memory_space<vmem>>
        tpu.wait_dma2 semaphore(%arg13 : memref<!tpu.dma_semaphore, #tpu.memory_space<semaphore_mem>>) src(%dma_wait3A_326 : memref<40x128xf32, #tpu.memory_space<vmem>>) dst(%dma_wait3A_322 : memref<40x128xf32, #tpu.memory_space<hbm>>)
        %add3A_327 = arith.constant 5 : i32
        %add3A_328 = arith.addi %mul3A_139, %add3A_327 : i32
        %add3A_329 = arith.constant 0 : i32
        %add3A_330 = arith.addi %add3A_328, %add3A_329 : i32
        %mul3A_331 = arith.constant 40 : i32
        %mul3A_332 = arith.muli %add3A_330, %mul3A_331 : i32
        %multiple_of3A = tpu.assume_multiple %mul3A_332, 8 : i32
        %dma_start3A_333 = arith.constant 0 : i32
        %dma_start3A_334 = arith.constant 0 : i32
        %dma_start3A_335 = arith.constant 0 : i32
        %dma_start3A_336 = tpu.memref_slice %arg6[%dma_start3A_333, %dma_start3A_334, %dma_start3A_335] : memref<5x40x128xf32, #tpu.memory_space<vmem>> -> memref<1x40x128xf32, #tpu.memory_space<vmem>>
        %dma_start3A_337 = tpu.memref_squeeze %dma_start3A_336 : memref<1x40x128xf32, #tpu.memory_space<vmem>> -> memref<40x128xf32, #tpu.memory_space<vmem>>
        %dma_start3A_338 = tpu.memref_slice %arg5[%multiple_of3A] : memref<10000xi32, #tpu.memory_space<vmem>> -> memref<40xi32, #tpu.memory_space<vmem>>
        %dma_start3A_339 = arith.constant 0 : i32
        %dma_start3A_340 = arith.constant 0 : i32
        %dma_start3A_341 = tpu.memref_slice %arg7[%dma_start3A_339, %dma_start3A_340] : memref<10000x128xf32, #tpu.memory_space<vmem_shared>> -> memref<10000x128xf32, #tpu.memory_space<vmem_shared>>
        tpu.enqueue_indirect_dma source(%dma_start3A_341 : memref<10000x128xf32, #tpu.memory_space<vmem_shared>>) target(%dma_start3A_337 : memref<40x128xf32, #tpu.memory_space<vmem>>) offsets(%dma_start3A_338 : memref<40xi32, #tpu.memory_space<vmem>>) semaphore(%arg8 : memref<!tpu.dma_semaphore, #tpu.memory_space<semaphore_mem>>)
        %dma_wait3A_342 = arith.constant 1 : i32
        %dma_wait3A_343 = arith.constant 0 : i32
        %dma_wait3A_344 = arith.constant 0 : i32
        %dma_wait3A_345 = tpu.memref_slice %arg6[%dma_wait3A_342, %dma_wait3A_343, %dma_wait3A_344] : memref<5x40x128xf32, #tpu.memory_space<vmem>> -> memref<1x40x128xf32, #tpu.memory_space<vmem>>
        %dma_wait3A_346 = tpu.memref_squeeze %dma_wait3A_345 : memref<1x40x128xf32, #tpu.memory_space<vmem>> -> memref<40x128xf32, #tpu.memory_space<vmem>>
        %dma_wait3A_347 = arith.constant 0 : i32
        %dma_wait3A_348 = arith.constant 0 : i32
        %dma_wait3A_349 = tpu.memref_slice %arg4[%dma_wait3A_347, %dma_wait3A_348] : memref<320000x128xf32, #tpu.memory_space<hbm>> -> memref<40x128xf32, #tpu.memory_space<hbm>>
        %dma_wait3A_350 = arith.constant 0 : i32
        %dma_wait3A_351 = arith.constant 0 : i32
        %dma_wait3A_352 = tpu.memref_slice %arg4[%dma_wait3A_350, %dma_wait3A_351] : memref<320000x128xf32, #tpu.memory_space<hbm>> -> memref<40x128xf32, #tpu.memory_space<hbm>>
        %dma_wait3A_353 = arith.constant 0 : i32
        %dma_wait3A_354 = arith.constant 0 : i32
        %dma_wait3A_355 = tpu.memref_slice %arg6[%dma_wait3A_342, %dma_wait3A_353, %dma_wait3A_354] : memref<5x40x128xf32, #tpu.memory_space<vmem>> -> memref<1x40x128xf32, #tpu.memory_space<vmem>>
        %dma_wait3A_356 = tpu.memref_squeeze %dma_wait3A_355 : memref<1x40x128xf32, #tpu.memory_space<vmem>> -> memref<40x128xf32, #tpu.memory_space<vmem>>
        tpu.wait_dma2 semaphore(%arg14 : memref<!tpu.dma_semaphore, #tpu.memory_space<semaphore_mem>>) src(%dma_wait3A_356 : memref<40x128xf32, #tpu.memory_space<vmem>>) dst(%dma_wait3A_352 : memref<40x128xf32, #tpu.memory_space<hbm>>)
        %add3A_357 = arith.constant 5 : i32
        %add3A_358 = arith.addi %mul3A_139, %add3A_357 : i32
        %add3A_359 = arith.constant 1 : i32
        %add3A_360 = arith.addi %add3A_358, %add3A_359 : i32
        %mul3A_361 = arith.constant 40 : i32
        %mul3A_362 = arith.muli %add3A_360, %mul3A_361 : i32
        %multiple_of3A_363 = tpu.assume_multiple %mul3A_362, 8 : i32
        %dma_start3A_364 = arith.constant 1 : i32
        %dma_start3A_365 = arith.constant 0 : i32
        %dma_start3A_366 = arith.constant 0 : i32
        %dma_start3A_367 = tpu.memref_slice %arg6[%dma_start3A_364, %dma_start3A_365, %dma_start3A_366] : memref<5x40x128xf32, #tpu.memory_space<vmem>> -> memref<1x40x128xf32, #tpu.memory_space<vmem>>
        %dma_start3A_368 = tpu.memref_squeeze %dma_start3A_367 : memref<1x40x128xf32, #tpu.memory_space<vmem>> -> memref<40x128xf32, #tpu.memory_space<vmem>>
        %dma_start3A_369 = tpu.memref_slice %arg5[%multiple_of3A_363] : memref<10000xi32, #tpu.memory_space<vmem>> -> memref<40xi32, #tpu.memory_space<vmem>>
        %dma_start3A_370 = arith.constant 0 : i32
        %dma_start3A_371 = arith.constant 0 : i32
        %dma_start3A_372 = tpu.memref_slice %arg7[%dma_start3A_370, %dma_start3A_371] : memref<10000x128xf32, #tpu.memory_space<vmem_shared>> -> memref<10000x128xf32, #tpu.memory_space<vmem_shared>>
        tpu.enqueue_indirect_dma source(%dma_start3A_372 : memref<10000x128xf32, #tpu.memory_space<vmem_shared>>) target(%dma_start3A_368 : memref<40x128xf32, #tpu.memory_space<vmem>>) offsets(%dma_start3A_369 : memref<40xi32, #tpu.memory_space<vmem>>) semaphore(%arg9 : memref<!tpu.dma_semaphore, #tpu.memory_space<semaphore_mem>>)
        %dma_wait3A_373 = arith.constant 2 : i32
        %dma_wait3A_374 = arith.constant 0 : i32
        %dma_wait3A_375 = arith.constant 0 : i32
        %dma_wait3A_376 = tpu.memref_slice %arg6[%dma_wait3A_373, %dma_wait3A_374, %dma_wait3A_375] : memref<5x40x128xf32, #tpu.memory_space<vmem>> -> memref<1x40x128xf32, #tpu.memory_space<vmem>>
        %dma_wait3A_377 = tpu.memref_squeeze %dma_wait3A_376 : memref<1x40x128xf32, #tpu.memory_space<vmem>> -> memref<40x128xf32, #tpu.memory_space<vmem>>
        %dma_wait3A_378 = arith.constant 0 : i32
        %dma_wait3A_379 = arith.constant 0 : i32
        %dma_wait3A_380 = tpu.memref_slice %arg4[%dma_wait3A_378, %dma_wait3A_379] : memref<320000x128xf32, #tpu.memory_space<hbm>> -> memref<40x128xf32, #tpu.memory_space<hbm>>
        %dma_wait3A_381 = arith.constant 0 : i32
        %dma_wait3A_382 = arith.constant 0 : i32
        %dma_wait3A_383 = tpu.memref_slice %arg4[%dma_wait3A_381, %dma_wait3A_382] : memref<320000x128xf32, #tpu.memory_space<hbm>> -> memref<40x128xf32, #tpu.memory_space<hbm>>
        %dma_wait3A_384 = arith.constant 0 : i32
        %dma_wait3A_385 = arith.constant 0 : i32
        %dma_wait3A_386 = tpu.memref_slice %arg6[%dma_wait3A_373, %dma_wait3A_384, %dma_wait3A_385] : memref<5x40x128xf32, #tpu.memory_space<vmem>> -> memref<1x40x128xf32, #tpu.memory_space<vmem>>
        %dma_wait3A_387 = tpu.memref_squeeze %dma_wait3A_386 : memref<1x40x128xf32, #tpu.memory_space<vmem>> -> memref<40x128xf32, #tpu.memory_space<vmem>>
        tpu.wait_dma2 semaphore(%arg15 : memref<!tpu.dma_semaphore, #tpu.memory_space<semaphore_mem>>) src(%dma_wait3A_387 : memref<40x128xf32, #tpu.memory_space<vmem>>) dst(%dma_wait3A_383 : memref<40x128xf32, #tpu.memory_space<hbm>>)
        %add3A_388 = arith.constant 5 : i32
        %add3A_389 = arith.addi %mul3A_139, %add3A_388 : i32
        %add3A_390 = arith.constant 2 : i32
        %add3A_391 = arith.addi %add3A_389, %add3A_390 : i32
        %mul3A_392 = arith.constant 40 : i32
        %mul3A_393 = arith.muli %add3A_391, %mul3A_392 : i32
        %multiple_of3A_394 = tpu.assume_multiple %mul3A_393, 8 : i32
        %dma_start3A_395 = arith.constant 2 : i32
        %dma_start3A_396 = arith.constant 0 : i32
        %dma_start3A_397 = arith.constant 0 : i32
        %dma_start3A_398 = tpu.memref_slice %arg6[%dma_start3A_395, %dma_start3A_396, %dma_start3A_397] : memref<5x40x128xf32, #tpu.memory_space<vmem>> -> memref<1x40x128xf32, #tpu.memory_space<vmem>>
        %dma_start3A_399 = tpu.memref_squeeze %dma_start3A_398 : memref<1x40x128xf32, #tpu.memory_space<vmem>> -> memref<40x128xf32, #tpu.memory_space<vmem>>
        %dma_start3A_400 = tpu.memref_slice %arg5[%multiple_of3A_394] : memref<10000xi32, #tpu.memory_space<vmem>> -> memref<40xi32, #tpu.memory_space<vmem>>
        %dma_start3A_401 = arith.constant 0 : i32
        %dma_start3A_402 = arith.constant 0 : i32
        %dma_start3A_403 = tpu.memref_slice %arg7[%dma_start3A_401, %dma_start3A_402] : memref<10000x128xf32, #tpu.memory_space<vmem_shared>> -> memref<10000x128xf32, #tpu.memory_space<vmem_shared>>
        tpu.enqueue_indirect_dma source(%dma_start3A_403 : memref<10000x128xf32, #tpu.memory_space<vmem_shared>>) target(%dma_start3A_399 : memref<40x128xf32, #tpu.memory_space<vmem>>) offsets(%dma_start3A_400 : memref<40xi32, #tpu.memory_space<vmem>>) semaphore(%arg10 : memref<!tpu.dma_semaphore, #tpu.memory_space<semaphore_mem>>)
        %dma_wait3A_404 = arith.constant 3 : i32
        %dma_wait3A_405 = arith.constant 0 : i32
        %dma_wait3A_406 = arith.constant 0 : i32
        %dma_wait3A_407 = tpu.memref_slice %arg6[%dma_wait3A_404, %dma_wait3A_405, %dma_wait3A_406] : memref<5x40x128xf32, #tpu.memory_space<vmem>> -> memref<1x40x128xf32, #tpu.memory_space<vmem>>
        %dma_wait3A_408 = tpu.memref_squeeze %dma_wait3A_407 : memref<1x40x128xf32, #tpu.memory_space<vmem>> -> memref<40x128xf32, #tpu.memory_space<vmem>>
        %dma_wait3A_409 = arith.constant 0 : i32
        %dma_wait3A_410 = arith.constant 0 : i32
        %dma_wait3A_411 = tpu.memref_slice %arg4[%dma_wait3A_409, %dma_wait3A_410] : memref<320000x128xf32, #tpu.memory_space<hbm>> -> memref<40x128xf32, #tpu.memory_space<hbm>>
        %dma_wait3A_412 = arith.constant 0 : i32
        %dma_wait3A_413 = arith.constant 0 : i32
        %dma_wait3A_414 = tpu.memref_slice %arg4[%dma_wait3A_412, %dma_wait3A_413] : memref<320000x128xf32, #tpu.memory_space<hbm>> -> memref<40x128xf32, #tpu.memory_space<hbm>>
        %dma_wait3A_415 = arith.constant 0 : i32
        %dma_wait3A_416 = arith.constant 0 : i32
        %dma_wait3A_417 = tpu.memref_slice %arg6[%dma_wait3A_404, %dma_wait3A_415, %dma_wait3A_416] : memref<5x40x128xf32, #tpu.memory_space<vmem>> -> memref<1x40x128xf32, #tpu.memory_space<vmem>>
        %dma_wait3A_418 = tpu.memref_squeeze %dma_wait3A_417 : memref<1x40x128xf32, #tpu.memory_space<vmem>> -> memref<40x128xf32, #tpu.memory_space<vmem>>
        tpu.wait_dma2 semaphore(%arg16 : memref<!tpu.dma_semaphore, #tpu.memory_space<semaphore_mem>>) src(%dma_wait3A_418 : memref<40x128xf32, #tpu.memory_space<vmem>>) dst(%dma_wait3A_414 : memref<40x128xf32, #tpu.memory_space<hbm>>)
        %add3A_419 = arith.constant 5 : i32
        %add3A_420 = arith.addi %mul3A_139, %add3A_419 : i32
        %add3A_421 = arith.constant 3 : i32
        %add3A_422 = arith.addi %add3A_420, %add3A_421 : i32
        %mul3A_423 = arith.constant 40 : i32
        %mul3A_424 = arith.muli %add3A_422, %mul3A_423 : i32
        %multiple_of3A_425 = tpu.assume_multiple %mul3A_424, 8 : i32
        %dma_start3A_426 = arith.constant 3 : i32
        %dma_start3A_427 = arith.constant 0 : i32
        %dma_start3A_428 = arith.constant 0 : i32
        %dma_start3A_429 = tpu.memref_slice %arg6[%dma_start3A_426, %dma_start3A_427, %dma_start3A_428] : memref<5x40x128xf32, #tpu.memory_space<vmem>> -> memref<1x40x128xf32, #tpu.memory_space<vmem>>
        %dma_start3A_430 = tpu.memref_squeeze %dma_start3A_429 : memref<1x40x128xf32, #tpu.memory_space<vmem>> -> memref<40x128xf32, #tpu.memory_space<vmem>>
        %dma_start3A_431 = tpu.memref_slice %arg5[%multiple_of3A_425] : memref<10000xi32, #tpu.memory_space<vmem>> -> memref<40xi32, #tpu.memory_space<vmem>>
        %dma_start3A_432 = arith.constant 0 : i32
        %dma_start3A_433 = arith.constant 0 : i32
        %dma_start3A_434 = tpu.memref_slice %arg7[%dma_start3A_432, %dma_start3A_433] : memref<10000x128xf32, #tpu.memory_space<vmem_shared>> -> memref<10000x128xf32, #tpu.memory_space<vmem_shared>>
        tpu.enqueue_indirect_dma source(%dma_start3A_434 : memref<10000x128xf32, #tpu.memory_space<vmem_shared>>) target(%dma_start3A_430 : memref<40x128xf32, #tpu.memory_space<vmem>>) offsets(%dma_start3A_431 : memref<40xi32, #tpu.memory_space<vmem>>) semaphore(%arg11 : memref<!tpu.dma_semaphore, #tpu.memory_space<semaphore_mem>>)
        %dma_wait3A_435 = arith.constant 4 : i32
        %dma_wait3A_436 = arith.constant 0 : i32
        %dma_wait3A_437 = arith.constant 0 : i32
        %dma_wait3A_438 = tpu.memref_slice %arg6[%dma_wait3A_435, %dma_wait3A_436, %dma_wait3A_437] : memref<5x40x128xf32, #tpu.memory_space<vmem>> -> memref<1x40x128xf32, #tpu.memory_space<vmem>>
        %dma_wait3A_439 = tpu.memref_squeeze %dma_wait3A_438 : memref<1x40x128xf32, #tpu.memory_space<vmem>> -> memref<40x128xf32, #tpu.memory_space<vmem>>
        %dma_wait3A_440 = arith.constant 0 : i32
        %dma_wait3A_441 = arith.constant 0 : i32
        %dma_wait3A_442 = tpu.memref_slice %arg4[%dma_wait3A_440, %dma_wait3A_441] : memref<320000x128xf32, #tpu.memory_space<hbm>> -> memref<40x128xf32, #tpu.memory_space<hbm>>
        %dma_wait3A_443 = arith.constant 0 : i32
        %dma_wait3A_444 = arith.constant 0 : i32
        %dma_wait3A_445 = tpu.memref_slice %arg4[%dma_wait3A_443, %dma_wait3A_444] : memref<320000x128xf32, #tpu.memory_space<hbm>> -> memref<40x128xf32, #tpu.memory_space<hbm>>
        %dma_wait3A_446 = arith.constant 0 : i32
        %dma_wait3A_447 = arith.constant 0 : i32
        %dma_wait3A_448 = tpu.memref_slice %arg6[%dma_wait3A_435, %dma_wait3A_446, %dma_wait3A_447] : memref<5x40x128xf32, #tpu.memory_space<vmem>> -> memref<1x40x128xf32, #tpu.memory_space<vmem>>
        %dma_wait3A_449 = tpu.memref_squeeze %dma_wait3A_448 : memref<1x40x128xf32, #tpu.memory_space<vmem>> -> memref<40x128xf32, #tpu.memory_space<vmem>>
        tpu.wait_dma2 semaphore(%arg17 : memref<!tpu.dma_semaphore, #tpu.memory_space<semaphore_mem>>) src(%dma_wait3A_449 : memref<40x128xf32, #tpu.memory_space<vmem>>) dst(%dma_wait3A_445 : memref<40x128xf32, #tpu.memory_space<hbm>>)
        %add3A_450 = arith.constant 5 : i32
        %add3A_451 = arith.addi %mul3A_139, %add3A_450 : i32
        %add3A_452 = arith.constant 4 : i32
        %add3A_453 = arith.addi %add3A_451, %add3A_452 : i32
        %mul3A_454 = arith.constant 40 : i32
        %mul3A_455 = arith.muli %add3A_453, %mul3A_454 : i32
        %multiple_of3A_456 = tpu.assume_multiple %mul3A_455, 8 : i32
        %dma_start3A_457 = arith.constant 4 : i32
        %dma_start3A_458 = arith.constant 0 : i32
        %dma_start3A_459 = arith.constant 0 : i32
        %dma_start3A_460 = tpu.memref_slice %arg6[%dma_start3A_457, %dma_start3A_458, %dma_start3A_459] : memref<5x40x128xf32, #tpu.memory_space<vmem>> -> memref<1x40x128xf32, #tpu.memory_space<vmem>>
        %dma_start3A_461 = tpu.memref_squeeze %dma_start3A_460 : memref<1x40x128xf32, #tpu.memory_space<vmem>> -> memref<40x128xf32, #tpu.memory_space<vmem>>
        %dma_start3A_462 = tpu.memref_slice %arg5[%multiple_of3A_456] : memref<10000xi32, #tpu.memory_space<vmem>> -> memref<40xi32, #tpu.memory_space<vmem>>
        %dma_start3A_463 = arith.constant 0 : i32
        %dma_start3A_464 = arith.constant 0 : i32
        %dma_start3A_465 = tpu.memref_slice %arg7[%dma_start3A_463, %dma_start3A_464] : memref<10000x128xf32, #tpu.memory_space<vmem_shared>> -> memref<10000x128xf32, #tpu.memory_space<vmem_shared>>
        tpu.enqueue_indirect_dma source(%dma_start3A_465 : memref<10000x128xf32, #tpu.memory_space<vmem_shared>>) target(%dma_start3A_461 : memref<40x128xf32, #tpu.memory_space<vmem>>) offsets(%dma_start3A_462 : memref<40xi32, #tpu.memory_space<vmem>>) semaphore(%arg12 : memref<!tpu.dma_semaphore, #tpu.memory_space<semaphore_mem>>)
      } else {
      }
    }
    %scan3A_62 = arith.constant 50 : i32
    %dma_wait3A = arith.constant 0 : i32
    %dma_wait3A_63 = arith.constant 0 : i32
    %dma_wait3A_64 = arith.constant 0 : i32
    %dma_wait3A_65 = tpu.memref_slice %arg6[%dma_wait3A, %dma_wait3A_63, %dma_wait3A_64] : memref<5x40x128xf32, #tpu.memory_space<vmem>> -> memref<1x40x128xf32, #tpu.memory_space<vmem>>
    %dma_wait3A_66 = tpu.memref_squeeze %dma_wait3A_65 : memref<1x40x128xf32, #tpu.memory_space<vmem>> -> memref<40x128xf32, #tpu.memory_space<vmem>>
    %dma_wait3A_67 = arith.constant 0 : i32
    %dma_wait3A_68 = arith.constant 0 : i32
    %dma_wait3A_69 = tpu.memref_slice %arg4[%dma_wait3A_67, %dma_wait3A_68] : memref<320000x128xf32, #tpu.memory_space<hbm>> -> memref<40x128xf32, #tpu.memory_space<hbm>>
    %dma_wait3A_70 = arith.constant 0 : i32
    %dma_wait3A_71 = arith.constant 0 : i32
    %dma_wait3A_72 = tpu.memref_slice %arg4[%dma_wait3A_70, %dma_wait3A_71] : memref<320000x128xf32, #tpu.memory_space<hbm>> -> memref<40x128xf32, #tpu.memory_space<hbm>>
    %dma_wait3A_73 = arith.constant 0 : i32
    %dma_wait3A_74 = arith.constant 0 : i32
    %dma_wait3A_75 = tpu.memref_slice %arg6[%dma_wait3A, %dma_wait3A_73, %dma_wait3A_74] : memref<5x40x128xf32, #tpu.memory_space<vmem>> -> memref<1x40x128xf32, #tpu.memory_space<vmem>>
    %dma_wait3A_76 = tpu.memref_squeeze %dma_wait3A_75 : memref<1x40x128xf32, #tpu.memory_space<vmem>> -> memref<40x128xf32, #tpu.memory_space<vmem>>
    tpu.wait_dma2 semaphore(%arg13 : memref<!tpu.dma_semaphore, #tpu.memory_space<semaphore_mem>>) src(%dma_wait3A_76 : memref<40x128xf32, #tpu.memory_space<vmem>>) dst(%dma_wait3A_72 : memref<40x128xf32, #tpu.memory_space<hbm>>)
    %dma_wait3A_77 = arith.constant 1 : i32
    %dma_wait3A_78 = arith.constant 0 : i32
    %dma_wait3A_79 = arith.constant 0 : i32
    %dma_wait3A_80 = tpu.memref_slice %arg6[%dma_wait3A_77, %dma_wait3A_78, %dma_wait3A_79] : memref<5x40x128xf32, #tpu.memory_space<vmem>> -> memref<1x40x128xf32, #tpu.memory_space<vmem>>
    %dma_wait3A_81 = tpu.memref_squeeze %dma_wait3A_80 : memref<1x40x128xf32, #tpu.memory_space<vmem>> -> memref<40x128xf32, #tpu.memory_space<vmem>>
    %dma_wait3A_82 = arith.constant 0 : i32
    %dma_wait3A_83 = arith.constant 0 : i32
    %dma_wait3A_84 = tpu.memref_slice %arg4[%dma_wait3A_82, %dma_wait3A_83] : memref<320000x128xf32, #tpu.memory_space<hbm>> -> memref<40x128xf32, #tpu.memory_space<hbm>>
    %dma_wait3A_85 = arith.constant 0 : i32
    %dma_wait3A_86 = arith.constant 0 : i32
    %dma_wait3A_87 = tpu.memref_slice %arg4[%dma_wait3A_85, %dma_wait3A_86] : memref<320000x128xf32, #tpu.memory_space<hbm>> -> memref<40x128xf32, #tpu.memory_space<hbm>>
    %dma_wait3A_88 = arith.constant 0 : i32
    %dma_wait3A_89 = arith.constant 0 : i32
    %dma_wait3A_90 = tpu.memref_slice %arg6[%dma_wait3A_77, %dma_wait3A_88, %dma_wait3A_89] : memref<5x40x128xf32, #tpu.memory_space<vmem>> -> memref<1x40x128xf32, #tpu.memory_space<vmem>>
    %dma_wait3A_91 = tpu.memref_squeeze %dma_wait3A_90 : memref<1x40x128xf32, #tpu.memory_space<vmem>> -> memref<40x128xf32, #tpu.memory_space<vmem>>
    tpu.wait_dma2 semaphore(%arg14 : memref<!tpu.dma_semaphore, #tpu.memory_space<semaphore_mem>>) src(%dma_wait3A_91 : memref<40x128xf32, #tpu.memory_space<vmem>>) dst(%dma_wait3A_87 : memref<40x128xf32, #tpu.memory_space<hbm>>)
    %dma_wait3A_92 = arith.constant 2 : i32
    %dma_wait3A_93 = arith.constant 0 : i32
    %dma_wait3A_94 = arith.constant 0 : i32
    %dma_wait3A_95 = tpu.memref_slice %arg6[%dma_wait3A_92, %dma_wait3A_93, %dma_wait3A_94] : memref<5x40x128xf32, #tpu.memory_space<vmem>> -> memref<1x40x128xf32, #tpu.memory_space<vmem>>
    %dma_wait3A_96 = tpu.memref_squeeze %dma_wait3A_95 : memref<1x40x128xf32, #tpu.memory_space<vmem>> -> memref<40x128xf32, #tpu.memory_space<vmem>>
    %dma_wait3A_97 = arith.constant 0 : i32
    %dma_wait3A_98 = arith.constant 0 : i32
    %dma_wait3A_99 = tpu.memref_slice %arg4[%dma_wait3A_97, %dma_wait3A_98] : memref<320000x128xf32, #tpu.memory_space<hbm>> -> memref<40x128xf32, #tpu.memory_space<hbm>>
    %dma_wait3A_100 = arith.constant 0 : i32
    %dma_wait3A_101 = arith.constant 0 : i32
    %dma_wait3A_102 = tpu.memref_slice %arg4[%dma_wait3A_100, %dma_wait3A_101] : memref<320000x128xf32, #tpu.memory_space<hbm>> -> memref<40x128xf32, #tpu.memory_space<hbm>>
    %dma_wait3A_103 = arith.constant 0 : i32
    %dma_wait3A_104 = arith.constant 0 : i32
    %dma_wait3A_105 = tpu.memref_slice %arg6[%dma_wait3A_92, %dma_wait3A_103, %dma_wait3A_104] : memref<5x40x128xf32, #tpu.memory_space<vmem>> -> memref<1x40x128xf32, #tpu.memory_space<vmem>>
    %dma_wait3A_106 = tpu.memref_squeeze %dma_wait3A_105 : memref<1x40x128xf32, #tpu.memory_space<vmem>> -> memref<40x128xf32, #tpu.memory_space<vmem>>
    tpu.wait_dma2 semaphore(%arg15 : memref<!tpu.dma_semaphore, #tpu.memory_space<semaphore_mem>>) src(%dma_wait3A_106 : memref<40x128xf32, #tpu.memory_space<vmem>>) dst(%dma_wait3A_102 : memref<40x128xf32, #tpu.memory_space<hbm>>)
    %dma_wait3A_107 = arith.constant 3 : i32
    %dma_wait3A_108 = arith.constant 0 : i32
    %dma_wait3A_109 = arith.constant 0 : i32
    %dma_wait3A_110 = tpu.memref_slice %arg6[%dma_wait3A_107, %dma_wait3A_108, %dma_wait3A_109] : memref<5x40x128xf32, #tpu.memory_space<vmem>> -> memref<1x40x128xf32, #tpu.memory_space<vmem>>
    %dma_wait3A_111 = tpu.memref_squeeze %dma_wait3A_110 : memref<1x40x128xf32, #tpu.memory_space<vmem>> -> memref<40x128xf32, #tpu.memory_space<vmem>>
    %dma_wait3A_112 = arith.constant 0 : i32
    %dma_wait3A_113 = arith.constant 0 : i32
    %dma_wait3A_114 = tpu.memref_slice %arg4[%dma_wait3A_112, %dma_wait3A_113] : memref<320000x128xf32, #tpu.memory_space<hbm>> -> memref<40x128xf32, #tpu.memory_space<hbm>>
    %dma_wait3A_115 = arith.constant 0 : i32
    %dma_wait3A_116 = arith.constant 0 : i32
    %dma_wait3A_117 = tpu.memref_slice %arg4[%dma_wait3A_115, %dma_wait3A_116] : memref<320000x128xf32, #tpu.memory_space<hbm>> -> memref<40x128xf32, #tpu.memory_space<hbm>>
    %dma_wait3A_118 = arith.constant 0 : i32
    %dma_wait3A_119 = arith.constant 0 : i32
    %dma_wait3A_120 = tpu.memref_slice %arg6[%dma_wait3A_107, %dma_wait3A_118, %dma_wait3A_119] : memref<5x40x128xf32, #tpu.memory_space<vmem>> -> memref<1x40x128xf32, #tpu.memory_space<vmem>>
    %dma_wait3A_121 = tpu.memref_squeeze %dma_wait3A_120 : memref<1x40x128xf32, #tpu.memory_space<vmem>> -> memref<40x128xf32, #tpu.memory_space<vmem>>
    tpu.wait_dma2 semaphore(%arg16 : memref<!tpu.dma_semaphore, #tpu.memory_space<semaphore_mem>>) src(%dma_wait3A_121 : memref<40x128xf32, #tpu.memory_space<vmem>>) dst(%dma_wait3A_117 : memref<40x128xf32, #tpu.memory_space<hbm>>)
    %dma_wait3A_122 = arith.constant 4 : i32
    %dma_wait3A_123 = arith.constant 0 : i32
    %dma_wait3A_124 = arith.constant 0 : i32
    %dma_wait3A_125 = tpu.memref_slice %arg6[%dma_wait3A_122, %dma_wait3A_123, %dma_wait3A_124] : memref<5x40x128xf32, #tpu.memory_space<vmem>> -> memref<1x40x128xf32, #tpu.memory_space<vmem>>
    %dma_wait3A_126 = tpu.memref_squeeze %dma_wait3A_125 : memref<1x40x128xf32, #tpu.memory_space<vmem>> -> memref<40x128xf32, #tpu.memory_space<vmem>>
    %dma_wait3A_127 = arith.constant 0 : i32
    %dma_wait3A_128 = arith.constant 0 : i32
    %dma_wait3A_129 = tpu.memref_slice %arg4[%dma_wait3A_127, %dma_wait3A_128] : memref<320000x128xf32, #tpu.memory_space<hbm>> -> memref<40x128xf32, #tpu.memory_space<hbm>>
    %dma_wait3A_130 = arith.constant 0 : i32
    %dma_wait3A_131 = arith.constant 0 : i32
    %dma_wait3A_132 = tpu.memref_slice %arg4[%dma_wait3A_130, %dma_wait3A_131] : memref<320000x128xf32, #tpu.memory_space<hbm>> -> memref<40x128xf32, #tpu.memory_space<hbm>>
    %dma_wait3A_133 = arith.constant 0 : i32
    %dma_wait3A_134 = arith.constant 0 : i32
    %dma_wait3A_135 = tpu.memref_slice %arg6[%dma_wait3A_122, %dma_wait3A_133, %dma_wait3A_134] : memref<5x40x128xf32, #tpu.memory_space<vmem>> -> memref<1x40x128xf32, #tpu.memory_space<vmem>>
    %dma_wait3A_136 = tpu.memref_squeeze %dma_wait3A_135 : memref<1x40x128xf32, #tpu.memory_space<vmem>> -> memref<40x128xf32, #tpu.memory_space<vmem>>
    tpu.wait_dma2 semaphore(%arg17 : memref<!tpu.dma_semaphore, #tpu.memory_space<semaphore_mem>>) src(%dma_wait3A_136 : memref<40x128xf32, #tpu.memory_space<vmem>>) dst(%dma_wait3A_132 : memref<40x128xf32, #tpu.memory_space<hbm>>)
    return
  }
}

module attributes {stable_mosaic.version = 14 : i64} {
  func.func @_dense_body(%arg0: i32, %arg1: memref<2000x128xf32, #tpu.memory_space<vmem>>, %arg2: memref<16x128xf32, #tpu.memory_space<vmem>>, %arg3: memref<16x128xf32, #tpu.memory_space<vmem>>, %arg4: memref<2000x128xf32, #tpu.memory_space<vmem>>) attributes {dimension_semantics = [#tpu.dimension_semantics<arbitrary>], iteration_bounds = array<i64: 5>, scalar_prefetch = 0 : i64, scratch_operands = 0 : i64, tpu.core_type = #tpu.core_type<tc>, window_params = [{transform_indices = @transform_0, window_bounds = array<i64: 2000, 128>}, {pipeline_mode = #tpu.pipeline_mode<synchronous>, transform_indices = @transform_1, window_bounds = array<i64: 16, 128>}, {pipeline_mode = #tpu.pipeline_mode<synchronous>, transform_indices = @transform_2, window_bounds = array<i64: 16, 128>}, {transform_indices = @transform_3, window_bounds = array<i64: 2000, 128>}]} {
    %get3A = arith.constant 0 : index
    %get3A_0 = arith.constant 0 : index
    %get3A_1 = vector.load %arg1[%get3A, %get3A_0] : memref<2000x128xf32, #tpu.memory_space<vmem>>, vector<2000x128xf32>
    %get3A_2 = arith.constant 0 : index
    %get3A_3 = arith.constant 0 : index
    %get3A_4 = vector.load %arg2[%get3A_2, %get3A_3] : memref<16x128xf32, #tpu.memory_space<vmem>>, vector<16x128xf32>
    %get3A_5 = arith.constant 0 : index
    %get3A_6 = arith.constant 0 : index
    %get3A_7 = vector.load %arg3[%get3A_5, %get3A_6] : memref<16x128xf32, #tpu.memory_space<vmem>>, vector<16x128xf32>
    %dot_general3A = arith.constant dense<0.000000e+00> : vector<2000x16xf32>
    %dot_general3A_8 = tpu.matmul %get3A_1, %get3A_4, %dot_general3A {dimension_numbers = #tpu.dot_dimension_numbers<[1], [1], [0], [0], [0, 0, 1, 0], [], []>, transpose_lhs_hint = false} : vector<2000x128xf32>, vector<16x128xf32>, vector<2000x16xf32> -> vector<2000x16xf32>
    %reduce_max3A = arith.constant dense<0xFF800000> : vector<2000xf32>
    %reduce_max3A_9 = vector.multi_reduction <maximumf>, %dot_general3A_8, %reduce_max3A [1] : vector<2000x16xf32> to vector<2000xf32>
    %broadcast_in_dim3A = vector.shape_cast %reduce_max3A_9 : vector<2000xf32> to vector<2000x1xf32>
    %sub3A = vector.broadcast %broadcast_in_dim3A : vector<2000x1xf32> to vector<2000x16xf32>
    %sub3A_10 = arith.subf %dot_general3A_8, %sub3A : vector<2000x16xf32>
    %exp3A = math.exp %sub3A_10 : vector<2000x16xf32>
    %reduce_sum3A = arith.constant dense<0.000000e+00> : vector<2000xf32>
    %reduce_sum3A_11 = vector.multi_reduction <add>, %exp3A, %reduce_sum3A [1] : vector<2000x16xf32> to vector<2000xf32>
    %broadcast_in_dim3A_12 = vector.shape_cast %reduce_sum3A_11 : vector<2000xf32> to vector<2000x1xf32>
    %div3A = vector.broadcast %broadcast_in_dim3A_12 : vector<2000x1xf32> to vector<2000x16xf32>
    %div3A_13 = arith.divf %exp3A, %div3A : vector<2000x16xf32>
    %dot_general3A_14 = arith.constant dense<0.000000e+00> : vector<2000x128xf32>
    %dot_general3A_15 = tpu.matmul %div3A_13, %get3A_7, %dot_general3A_14 {dimension_numbers = #tpu.dot_dimension_numbers<[1], [0], [0], [1], [0, 0, 1, 1], [], []>, transpose_lhs_hint = false} : vector<2000x16xf32>, vector<16x128xf32>, vector<2000x128xf32> -> vector<2000x128xf32>
    %mul3A = arith.mulf %get3A_1, %dot_general3A_15 : vector<2000x128xf32>
    %swap3A = arith.constant 0 : index
    %swap3A_16 = arith.constant 0 : index
    %swap3A_17 = vector.load %arg4[%swap3A, %swap3A_16] : memref<2000x128xf32, #tpu.memory_space<vmem>>, vector<2000x128xf32>
    tpu.vector_store %arg4[%swap3A, %swap3A_16], %mul3A {strides = array<i32>} : memref<2000x128xf32, #tpu.memory_space<vmem>>, vector<2000x128xf32>,
    return
  }
  func.func @transform_0(%arg0: i32) -> (i32, i32) {
    %c0_i32 = arith.constant 0 : i32
    %c0_i32_0 = arith.constant 0 : i32
    return %arg0, %c0_i32 : i32, i32
  }
  func.func @transform_1(%arg0: i32) -> (i32, i32) {
    %c0_i32 = arith.constant 0 : i32
    %c0_i32_0 = arith.constant 0 : i32
    %c0_i32_1 = arith.constant 0 : i32
    return %c0_i32, %c0_i32_0 : i32, i32
  }
  func.func @transform_2(%arg0: i32) -> (i32, i32) {
    %c0_i32 = arith.constant 0 : i32
    %c0_i32_0 = arith.constant 0 : i32
    %c0_i32_1 = arith.constant 0 : i32
    return %c0_i32, %c0_i32_0 : i32, i32
  }
  func.func @transform_3(%arg0: i32) -> (i32, i32) {
    %c0_i32 = arith.constant 0 : i32
    %c0_i32_0 = arith.constant 0 : i32
    return %arg0, %c0_i32 : i32, i32
  }
}

</mosaic_0001>

<sc_bundles>
// kernel: kernel.4.cloned.1.call-start
scs
__scs_entry_jumppad:
0x0: {  	(pc) =	sbr.rel $0x88, $3  }
0x1: {  	(tag) =	ssettag $0x0;
	lr =	simm.s32 $0x1  }
0x2: {  	[smem:$0x3F9D] =	sst lr;
	_ =	strace $0xD0000000  }
0x3: {  	_ = 	snop  }
0x4: {  	_ = 	snop  }
0x5: {  	_ = 	snop  }
0x6: {  	_ = 	snop  }
0x7: {  	_ = 	snop  }
__scs_overlays_trampoline_lowered:
0x8: {  	[smem:$0x3FAC] =	sst s0  }
0x9: {  	[smem:$0x3FAD] =	sst s1  }
0xa: {  	[smem:$0x3FAE] =	sst s2  }
0xb: {  	[smem:$0x3FAF] =	sst s3  }
0xc: {  	[smem:$0x3FB0] =	sst s4  }
0xd: {  	[smem:$0x3FB1] =	sst s5  }
0xe: {  	[smem:$0x3FB2] =	sst s6  }
0xf: {  	[smem:$0x3FB3] =	sst s7  }
0x10: {  	[smem:$0x3FB4] =	sst s8  }
0x11: {  	[smem:$0x3FB5] =	sst s9;
	s0 =	simm.s32 @!p0 $0x0  }
0x12: {  	s1 =	sld [smem:$0x3F9B];
	s0 =	simm.s32 @p0 $0x1  }
0x13: {  	[smem:$0x3FB6] =	sst s0;
	s0 =	simm.s32 @!p1 $0x0  }
0x14: {  	s2 =	sld [smem:$0x3F9A];
	s0 =	simm.s32 @p1 $0x1  }
0x15: {  	[smem:$0x3FB7] =	sst s0;
	s0 =	simm.s32 @!p2 $0x0  }
0x16: {  	s3 =	sld [smem:$0x3FDB];
	s0 =	simm.s32 @p2 $0x1  }
0x17: {  	s4 =	simm.s32 $0x1BF5;
	[smem:$0x3FB9] =	sst s0  }
0x18: {  	s0 =	sld [smem:$0x3F9C];
	_ =	swait.ge [sflag:s4], $0x0  }
0x19: {  	s7 =	sld [smem:$0x3F9D]  }
0x1a: {  	s8 =	sadd.s32 $0xFFFFE003, lr  }
0x1b: {  	s9 =	sadd.s32 $0xFFFFFEF7, lr;
	s5 =	simm.s32 $0xFFFFFFFF;
	p2 =	slt.u32 s8, $0xFFFFF086  }
0x1c: {  	p1 =	slt.u32 s9, $0xF7A;
	s5 =	simm.s32 @!p2 $0x0  }
0x1d: {  	s5 =	simm.s32 @p1 $0x1;
	p0 =	seq.s32 s7, s2  }
0x1e: {  	s7 =	smul.u32 @!p0 $0xF7A, s2;
	p2 =	seq.s32 @!p0 s5, $0x0  }
0x1f: {  	s9 =	smul.u32 $0xF7A, s1;
	s8 =	simm.s32 @!p0 $0x1BF5;
	p2 =	por !p2, p0  }
0x20: {  	[sflag:s8] =	ssyncset.s32 @!p0 $0xFFFFF086;
	s6 =	sadd.s32 @!p0 s3, s7;
	s7 =	simm.s32 @!p0 $0x108  }
0x21: {  	s3 =	sadd.s32 s3, s9;
	s6 =	sadd.s32 @!p0 $0x88, s6;
	s7 =	simm.s32 @p2 $0x1082  }
0x22: {  	[simem:s7], [sflag:s8] =	dma.local @!p0 [hbm:s6], $0xF7A  }
0x23: {  	s9 =	sor.u32 $0xD0000000, s2;
	s6 =	simm.s32 $0x108;
	_ =	swait.ge @!p0 [sflag:s8], $0x0  }
0x24: {  	s3 =	sadd.s32 $0x88, s3;
	s6 =	simm.s32 @!p1 $0x1082;
	[sflag:s4] =	ssyncset.s32 $0xFFFFF086  }
0x25: {  	[simem:s6], [sflag:s4] =	dma.local [hbm:s3], $0xF7A  }
0x26: {  	[smem:$0x3F9D] =	sst s1;
	(tag) =	ssettag s2;
	_ =	strace s9  }
0x27: {  	s1 =	sld [smem:$0x3FAD]  }
0x28: {  	s2 =	sld [smem:$0x3FAE]  }
0x29: {  	s4 =	sld [smem:$0x3FB0]  }
0x2a: {  	p0 =	seq.s32 s5, $0x0;
	s5 =	sld [smem:$0x3FB1]  }
0x2b: {  	s6 =	sld [smem:$0x3FB2]  }
0x2c: {  	s7 =	sld [smem:$0x3FB3]  }
0x2d: {  	s3 =	simm.s32 $0x108;
	s8 =	sld [smem:$0x3FB4]  }
0x2e: {  	s3 =	simm.s32 @!p0 $0x1082;
	s9 =	sld [smem:$0x3FB5]  }
0x2f: {  	lr =	sadd.s32 s0, s3;
	s0 =	sld [smem:$0x3FAC]  }
0x30: {  	s3 =	sld [smem:$0x3FAF]  }
0x31: {  	[smem:$0x3FB8] =	sst s10  }
0x32: {  	s10 =	sld [smem:$0x3FB6];
	_ =	sdelay $0x3  }
0x33: {  	p0 =	seq.s32 s10, $0x1;
	s10 =	sld [smem:$0x3FB8];
	_ =	sdelay $0x3  }
0x34: {  	[smem:$0x3FB8] =	sst s10  }
0x35: {  	s10 =	sld [smem:$0x3FB7];
	_ =	sdelay $0x3  }
0x36: {  	p1 =	seq.s32 s10, $0x1;
	s10 =	sld [smem:$0x3FB8];
	_ =	sdelay $0x3  }
0x37: {  	[smem:$0x3FB8] =	sst s10  }
0x38: {  	s10 =	sld [smem:$0x3FB9]  }
0x39: {  	_ = 	snop;
	(pc) =	sbr.ind lr, $3  }
0x3a: {  	_ = 	snop  }
0x3b: {  	_ = 	snop  }
0x3c: {  	p2 =	seq.s32 s10, $0x1;
	s10 =	sld [smem:$0x3FB8]  }
0x3d: {  	_ =	shalt  }
0x3e: {  	_ =	shalt  }
0x3f: {  	_ =	shalt  }
0x40: {  	_ =	shalt  }
0x41: {  	_ =	shalt  }
0x42: {  	_ =	shalt  }
0x43: {  	_ =	shalt  }
0x44: {  	_ =	shalt  }
0x45: {  	_ =	shalt  }
0x46: {  	_ =	shalt  }
0x47: {  	_ =	shalt  }
0x48: {  	_ =	shalt  }
0x49: {  	_ =	shalt  }
0x4a: {  	_ =	shalt  }
0x4b: {  	_ =	shalt  }
0x4c: {  	_ =	shalt  }
0x4d: {  	_ =	shalt  }
0x4e: {  	_ =	shalt  }
0x4f: {  	_ =	shalt  }
0x50: {  	_ =	shalt  }
0x51: {  	_ =	shalt  }
0x52: {  	_ =	shalt  }
0x53: {  	_ =	shalt  }
0x54: {  	_ =	shalt  }
0x55: {  	_ =	shalt  }
0x56: {  	_ =	shalt  }
0x57: {  	_ =	shalt  }
0x58: {  	_ =	shalt  }
0x59: {  	_ =	shalt  }
0x5a: {  	_ =	shalt  }
0x5b: {  	_ =	shalt  }
0x5c: {  	_ =	shalt  }
0x5d: {  	_ =	shalt  }
0x5e: {  	_ =	shalt  }
0x5f: {  	_ =	shalt  }
0x60: {  	_ =	shalt  }
0x61: {  	_ =	shalt  }
0x62: {  	_ =	shalt  }
0x63: {  	_ =	shalt  }
0x64: {  	_ =	shalt  }
0x65: {  	_ =	shalt  }
0x66: {  	_ =	shalt  }
0x67: {  	_ =	shalt  }
0x68: {  	_ =	shalt  }
0x69: {  	_ =	shalt  }
0x6a: {  	_ =	shalt  }
0x6b: {  	_ =	shalt  }
0x6c: {  	_ =	shalt  }
0x6d: {  	_ =	shalt  }
0x6e: {  	_ =	shalt  }
0x6f: {  	_ =	shalt  }
0x70: {  	_ =	shalt  }
0x71: {  	_ =	shalt  }
0x72: {  	_ =	shalt  }
0x73: {  	_ =	shalt  }
0x74: {  	_ =	shalt  }
0x75: {  	_ =	shalt  }
0x76: {  	_ =	shalt  }
0x77: {  	_ =	shalt  }
0x78: {  	_ =	shalt  }
0x79: {  	_ =	shalt  }
0x7a: {  	_ =	shalt  }
0x7b: {  	_ =	shalt  }
0x7c: {  	_ =	shalt  }
0x7d: {  	_ =	shalt  }
0x7e: {  	_ =	shalt  }
0x7f: {  	_ =	shalt  }
0x80: {  	_ =	shalt  }
0x81: {  	_ =	shalt  }
0x82: {  	_ =	shalt  }
0x83: {  	_ =	shalt  }
0x84: {  	_ =	shalt  }
0x85: {  	_ =	shalt  }
0x86: {  	_ =	shalt  }
0x87: {  	_ =	shalt  }
.Lfunc_end0:
.L_simem_size_0:
called_computation_lowered:
.L_overlay_start_0:
0x88: {  	s2 =	sld [smem:$0x3FD9]  }
0x89: {  	s3 =	sld [smem:$0x3FFE];
	_ =	sdelay $0x1  }
0x8a: {  	s1 =	srdreg.scid  }
0x8b: {  	s0 =	sand.u32 $0x1, s1  }
0x8c: {  	s17 =	sshll.u32 s0, $0xA;
	s2 =	sadd.s32 s3, s2  }
0x8d: {  	s2 =	sadd.s32 s2, s17  }
0x8e: {  	[smem:$0x3FC4] =	sst s2  }
0x8f: {  	_ = 	snop  }
0x90: {  	s2 =	sld [smem:$0x3FD0];
	(tm) =	ssettm $0x1  }
0x91: {  	s18 =	sld [smem:$0x3FFB];
	_ =	sdelay $0x3  }
0x92: {  	_ =	strace s18  }
0x93: {  	s3 =	sld [smem:$0x3FFC];
	_ =	sdelay $0x3  }
0x94: {  	_ =	strace s3  }
0x95: {  	s3 =	sld [smem:$0x3FFD];
	_ =	sdelay $0x3  }
0x96: {  	_ =	strace s3  }
0x97: {  	_ =	strace $0x8FFFFFFF  }
0x98: {  	s19 =	sld [smem:$0x3FDB];
	_ =	sdelay $0x1  }
0x99: {  	s4 =	simm.s32 $_scs_section_size  }
0x9a: {  	s5 =	simm.s32 $_size__tile_overlayer_lowered;
	s6 =	simm.s32 $_tile_overlayer_lowered  }
0x9b: {  	s22 =	simm.s32 $0x1BFF;
	s21 =	sshll.u32 s6, $0x1;
	s3 =	sadd.s32 s4, s19  }
0x9c: {  	s7 =	simm.s32 $0x0;
	s20 =	sshll.u32 s5, $0x1;
	s5 =	sadd.s32 s21, s3  }
0x9d: {  	[timem:s7], [sflag:s22] =	dma.local [hbm:s5], s20  }
0x9e: {  	_ =	swait.ge [sflag:s22], s20  }
0x9f: {  	s4 =	ssub.s32 $0x0, s20;
	[sflag:s22] =	ssyncset.done $0x0  }
0xa0: {  	[sflag:s22] =	ssyncadd.s32 s4;
	_ =	sdelay $0x1  }
0xa1: {  	s23 =	simm.s32 $0x1B8B  }
0xa2: {  	_ =	swait.ge [sflag:s23], $0x1  }
0xa3: {  	[sflag:s23] =	ssyncset.done $0x0  }
0xa4: {  	s25 =	simm.s32 $0x1B8E;
	s24 =	sld [smem:$0x3FFE];
	[sflag:s23] =	ssyncadd.s32 $0xFFFFFFFF  }
0xa5: {  	s26 =	simm.s32 $execute0_lowered;
	[smem:$0x3FD2] =	sst s25  }
0xa6: {  	s5 =	sshll.u32 s26, $0x1;
	_ =	strace $0x80000046;
	[dreg:$0x1] =	wrdreg $0xFFFFFFFF  }
0xa7: {  	s28 =	simm.s32 $_size_execute0_lowered;
	s3 =	sadd.s32 s3, s5;
	[dreg:$0x0] =	wrdreg $0x0  }
0xa8: {  	s5 =	sshll.u32 s28, $0x1;
	[dreg:$0x2] =	wrdreg s3  }
0xa9: {  	[dreg:$0x3] =	wrdreg s5  }
0xaa: {  	[dreg:$0x4] =	wrdreg $0xC0  }
0xab: {  	_ =	task [dreg:s7], $0x5FFFF  }
0xac: {  	[dreg:$0x1] =	wrdreg $0xFFFFFFFF  }
0xad: {  	[dreg:$0x0] =	wrdreg $0x60  }
0xae: {  	[dreg:$0x2] =	wrdreg s24  }
0xaf: {  	[dreg:$0x3] =	wrdreg s2  }
0xb0: {  	[dreg:$0x4] =	wrdreg $0x8B800  }
0xb1: {  	[dreg:$0x5] =	wrdreg $0x9  }
0xb2: {  	_ =	task.clear_ibuf [dreg:s7], $0x6FFFF;
	_ =	strace $0x90000046  }
0xb3: {  	s29 =	simm.s32 $0x9;
	_ =	strace $0x80000048  }
0xb4: {  	_ =	swait.ge [sflag:s29], $0x1  }
0xb5: {  	[sflag:s29] =	ssyncadd.s32 $0xFFFFFFFF  }
0xb6: {  	_ =	strace $0x90000048  }
0xb7: {  	_ =	sfence  }
0xb8: {  	s30 =	sld [smem:$0x0];
	_ =	sdelay $0x2  }
0xb9: {  	s31 =	sshll.u32 s1, $0xD;
	s1 =	sshrl.u32 s1, $0x2  }
0xba: {  	s3 =	sand.u32 $0x4000, s31;
	s1 =	sadd.s32 s1, s30  }
0xbb: {  	s0 =	sor.u32 s3, s0;
	s1 =	sshll.u32 s1, $0x11  }
0xbc: {  	s0 =	sor.u32 s1, s0  }
0xbd: {  	s0 =	sadd.s32 $0x8F2B, s0  }
0xbe: {  	[sflag:s0] =	ssyncadd.remote.s32 $0x1  }
0xbf: {  	_ =	sfence.sel $0xFFFF  }
0xc0: {  	[dreg:$0x0] =	wrdreg $0xFFFFFFFF;
	(pc) =	sbr.abs _section_cstart, $3  }
0xc1: {  	[dreg:$0x1] =	wrdreg $0xFFFFFFFF  }
0xc2: {  	_ =	task.clear_ibuf [dreg:s7], $0x2FFFF;
	_ =	strace $0x9FFFFFFF  }
0xc3: {  	(tm) =	ssettm $0x7FFFFFFF  }
tec
execute0_lowered:
.L_overlay_start_1:
0x0: {  	(tag) =	ssettag $0x1  }
0x1: {  	s0 =	rddreg [dreg:$0x0]  }
0x2: {  	s1 =	rddreg [dreg:$0x1]  }
0x3: {  	s2 =	rddreg [dreg:$0x2];
	s4 =	srdreg.scid;
	s3 =	simm.s32 $0x0  }
0x4: {  	s12 =	stileid.u32;
	s14 =	simm.s32 $0xB;
	s15 =	simm.s32 $0x28  }
0x5: {  	s16 =	simm.s32 $0x2780;
	s17 =	simm.s32 $0x3B80;
	s28 =	simm.s32 $0x4  }
0x6: {  	s29 =	simm.s32 $0x5;
	s30 =	simm.s32 $0x6;
	s31 =	simm.s32 $0x7  }
0x7: {  	s13 =	simm.s32 $0x0;
	s6 =	sand.u32 $0x1, s4;
	s20 =	smul.u32 $0x2700, s12  }
0x8: {  	s19 =	sshrl.u32 s12, $0x2;
	s5 =	sshll.u32 s12, $0x8;
	s8 =	smul.u32 $0x4E000, s12  }
0x9: {  	[smem:$0x7FF] =	sst s3;
	s24 =	smul.u32 $0x4E200, s12;
	s11 =	sadd.s32 $0x124800, s2  }
0xa: {  	p0 =	seq.s32 s12, $0xF;
	s7 =	sshll.u32 s6, $0x7;
	s4 =	smul.u32 $0x13C00, s19  }
0xb: {  	_ =	strace $0x80000047;
	s21 =	ssub.s32 $0x2, s6;
	s25 =	smul.u32 $0x27100, s6  }
0xc: {  	s19 =	simm.s32 $0x4F80;
	s5 =	sor.u32 s7, s5;
	s7 =	sadd.s32 s20, s0  }
0xd: {  	s9 =	sshrl.u32 s21, $0x1;
	s22 =	sshrl.u32 s8, $0x2;
	s1 =	sadd.s32 s24, s1  }
0xe: {  	s24 =	simm.s32 $0x1;
	s5 =	sand.u32 $0x380, s5;
	s9 =	ssub.s32 s21, s9  }
0xf: {  	s8 =	sadd.s32 s22, s2;
	s23 =	sadd.s32 $0xAA00, s7;
	s21 =	simm.s32 $0x6380  }
0x10: {  	s4 =	sor.u32 s4, s5;
	[dreg:$0x4] =	wrdreg s23;
	s7 =	smax.u32 s9, $0x1  }
0x11: {  	s9 =	sshrl.u32 @p0 s11, $0x3;
	s11 =	sshrl.u32 @!p0 s8, $0x3;
	s4 =	sshrl.u32 s4, $0x3  }
0x12: {  	s23 =	simm.s32 $0x7780;
	s10 =	sadd.s32 s4, s0;
	s0 =	sadd.s32 $0x2F300, s0  }
0x13: {  	[dreg:$0x5] =	wrdreg s0;
	s26 =	sadd.s32 $0xC00, s10;
	s0 =	sadd.s32 s25, s1  }
0x14: {  	s1 =	sshll.u32 @!p0 s12, $0x6;
	s25 =	simm.s32 $0x2;
	s12 =	simm.s32 $0xA  }
0x15: {  	[dreg:$0x6] =	wrdreg s26;
	s18 =	sadd.s32 $0xA00, s0;
	s10 =	sor.u32 @!p0 $0x1C0B, s1  }
0x16: {  	s26 =	simm.s32 $0x3;
	s0 =	simm.s32 $0x8;
	s1 =	simm.s32 $0x9  }
.LBB2_1:
0x17: {  	s8 =	simm.s32 @p0 $0x1FCB;
	s4 =	rddreg [dreg:$0x5]  }
0x18: {  	[spmem:s9], [sflag:s8] =	dma.local @p0 [hbm:s4], $0x2800  }
0x19: {  	s8 =	simm.s32 @p0 $0xB  }
0x1a: {  	_ =	swait.ge @p0 [sflag:s8], $0x2800  }
0x1b: {  	[sflag:s8] =	ssyncset.done @p0 $0x0  }
0x1c: {  	s4 =	rddreg [dreg:$0x4];
	[sflag:s8] =	ssyncadd.s32 @p0 $0xFFFFD800;
	s8 =	simm.s32 @!p0 $0xB  }
0x1d: {  	[spmem:s11], [sflag:s10] =	dma.local @!p0 [hbm:s4], $0x2700  }
0x1e: {  	_ =	swait.ge @!p0 [sflag:s8], $0x2700  }
0x1f: {  	s5 =	simm.s32 $0x80;
	[sflag:s8] =	ssyncset.done @!p0 $0x0  }
0x20: {  	s6 =	simm.s32 $0x400;
	s22 =	rddreg [dreg:$0x6];
	[sflag:s8] =	ssyncadd.s32 @!p0 $0xFFFFD900  }
0x21: {  	[tilespmem:s3], [sflag:$0xB] =	stream.strided.gather [hbm4b:s22+s5], $0x2780, s6, s5, $0x38;
	[tilespmem:$0x1C400] =	vst v63  }
0x22: {  	_ =	swait.ge [sflag:s14], $0x2780  }
0x23: {  	[sflag:s14] =	ssyncset.done $0x0  }
0x24: {  	[sflag:s14] =	ssyncadd.s32 $0xFFFFD880  }
0x25: {  	[bflag:$0x0] =	sbarrier.arrive $0xFFFF  }
0x26: {  	[tilespmem:s16], [sflag:$0x1] =	stream.indirect.gather [spmem:s2], $0x80, s3, s15, $0xb8;
	[tilespmem:$0x1C400] =	vst v63  }
0x27: {  	_ = 	snop  }
0x28: {  	[tilespmem:s17], [sflag:$0x2] =	stream.indirect.gather [spmem:s2], $0x80, s15, s15, $0xb8;
	[tilespmem:$0x1C400] =	vst v63  }
0x29: {  	s8 =	simm.s32 $0x50  }
0x2a: {  	[tilespmem:s19], [sflag:$0x3] =	stream.indirect.gather [spmem:s2], $0x80, s8, s15, $0xb8;
	[tilespmem:$0x1C400] =	vst v63  }
0x2b: {  	s20 =	simm.s32 $0x78  }
0x2c: {  	[tilespmem:s21], [sflag:$0x4] =	stream.indirect.gather [spmem:s2], $0x80, s20, s15, $0xb8;
	[tilespmem:$0x1C400] =	vst v63  }
0x2d: {  	s22 =	simm.s32 $0xA0;
	s8 =	smov.u32 s18;
	s20 =	simm.s32 $0x0  }
0x2e: {  	[tilespmem:s23], [sflag:$0x5] =	stream.indirect.gather [spmem:s2], $0x80, s22, s15, $0xb8;
	[tilespmem:$0x1C400] =	vst v63  }
.LBB2_2:
0x2f: {  	_ =	swait.ge [sflag:s24], $0x1400  }
0x30: {  	[sflag:s24] =	ssyncset.done $0x0  }
0x31: {  	s22 =	sadd.s32 $0xFFFFF600, s8;
	[sflag:s24] =	ssyncadd.s32 $0xFFFFEC00  }
0x32: {  	[hbm4b:s22+s3] =	stream.linear.scatter [tilespmem:s16], [sflag:$0x6], $0x1400, $0x38;
	[tilespmem:$0x1C400] =	vst v63  }
0x33: {  	_ =	swait.ge [sflag:s25], $0x1400  }
0x34: {  	[sflag:s25] =	ssyncset.done $0x0  }
0x35: {  	s4 =	sadd.s32 $0xFFFFF880, s8;
	[sflag:s25] =	ssyncadd.s32 $0xFFFFEC00  }
0x36: {  	[hbm4b:s4+s3] =	stream.linear.scatter [tilespmem:s17], [sflag:$0x7], $0x1400, $0x38;
	[tilespmem:$0x1C400] =	vst v63  }
0x37: {  	_ =	swait.ge [sflag:s26], $0x1400  }
0x38: {  	[sflag:s26] =	ssyncset.done $0x0  }
0x39: {  	s5 =	sadd.s32 $0xFFFFFB00, s8;
	[sflag:s26] =	ssyncadd.s32 $0xFFFFEC00  }
0x3a: {  	[hbm4b:s5+s3] =	stream.linear.scatter [tilespmem:s19], [sflag:$0x8], $0x1400, $0x38;
	[tilespmem:$0x1C400] =	vst v63  }
0x3b: {  	_ =	swait.ge [sflag:s28], $0x1400  }
0x3c: {  	[sflag:s28] =	ssyncset.done $0x0  }
0x3d: {  	s6 =	sadd.s32 $0xFFFFFD80, s8;
	[sflag:s28] =	ssyncadd.s32 $0xFFFFEC00  }
0x3e: {  	[hbm4b:s6+s3] =	stream.linear.scatter [tilespmem:s21], [sflag:$0x9], $0x1400, $0x38;
	[tilespmem:$0x1C400] =	vst v63  }
0x3f: {  	_ =	swait.ge [sflag:s29], $0x1400  }
0x40: {  	p1 =	seq.s32 s20, $0x9920;
	[sflag:s29] =	ssyncset.done $0x0  }
0x41: {  	s22 =	simm.s32 @!p1 $0x6;
	[sflag:s29] =	ssyncadd.s32 $0xFFFFEC00  }
0x42: {  	[hbm4b:s8+s3] =	stream.linear.scatter [tilespmem:s23], [sflag:$0xA], $0x1400, $0x38;
	[tilespmem:$0x1C400] =	vst v63  }
0x43: {  	_ =	swait.ge @!p1 [sflag:s22], $0x1400  }
0x44: {  	[sflag:s22] =	ssyncset.done @!p1 $0x0  }
0x45: {  	[sflag:s22] =	ssyncadd.s32 @!p1 $0xFFFFEC00;
	s22 =	sshra.s32 @!p1 s20, $0x2  }
0x46: {  	s5 =	simm.s32 @!p1 $0x28;
	s6 =	simm.s32 @!p1 $0x2780;
	s4 =	sadd.s32 @!p1 $0xC8, s22  }
0x47: {  	[tilespmem:s6], [sflag:$0x1] =	stream.indirect.gather @!p1 [spmem:s2], $0x80, s4, s5, $0xb8;
	[tilespmem:$0x1C400] =	vst v63  }
0x48: {  	s4 =	simm.s32 @!p1 $0x7  }
0x49: {  	_ =	swait.ge @!p1 [sflag:s4], $0x1400  }
0x4a: {  	[sflag:s4] =	ssyncset.done @!p1 $0x0  }
0x4b: {  	s6 =	simm.s32 @!p1 $0x3B80;
	[sflag:s4] =	ssyncadd.s32 @!p1 $0xFFFFEC00;
	s4 =	sadd.s32 @!p1 $0xF0, s22  }
0x4c: {  	[tilespmem:s6], [sflag:$0x2] =	stream.indirect.gather @!p1 [spmem:s2], $0x80, s4, s5, $0xb8;
	[tilespmem:$0x1C400] =	vst v63  }
0x4d: {  	s4 =	simm.s32 @!p1 $0x8  }
0x4e: {  	_ =	swait.ge @!p1 [sflag:s4], $0x1400  }
0x4f: {  	[sflag:s4] =	ssyncset.done @!p1 $0x0  }
0x50: {  	s6 =	simm.s32 @!p1 $0x4F80;
	[sflag:s4] =	ssyncadd.s32 @!p1 $0xFFFFEC00;
	s4 =	sadd.s32 @!p1 $0x118, s22  }
0x51: {  	[tilespmem:s6], [sflag:$0x3] =	stream.indirect.gather @!p1 [spmem:s2], $0x80, s4, s5, $0xb8;
	[tilespmem:$0x1C400] =	vst v63  }
0x52: {  	s20 =	sadd.s32 @!p1 $0x320, s20;
	s4 =	simm.s32 @!p1 $0x9  }
0x53: {  	p2 =	sne.s32 @!p1 s20, $0x9C40;
	_ =	swait.ge @!p1 [sflag:s4], $0x1400  }
0x54: {  	p2 =	por p1, !p2;
	[sflag:s4] =	ssyncset.done @!p1 $0x0  }
0x55: {  	s6 =	simm.s32 @!p1 $0x6380;
	[sflag:s4] =	ssyncadd.s32 @!p1 $0xFFFFEC00;
	s4 =	sadd.s32 @!p1 $0x140, s22  }
0x56: {  	[tilespmem:s6], [sflag:$0x4] =	stream.indirect.gather @!p1 [spmem:s2], $0x80, s4, s5, $0xb8;
	[tilespmem:$0x1C400] =	vst v63  }
.Ltmp0:
0x57: {  	s4 =	simm.s32 @!p1 $0xA;
	(pc) =	sbr.rel @!p2 .LBB2_2-.Ltmp0, $4  }
0x58: {  	_ =	swait.ge @!p1 [sflag:s4], $0x1400  }
0x59: {  	s8 =	sadd.s32 @!p1 $0xC80, s8;
	[sflag:s4] =	ssyncset.done @!p1 $0x0  }
0x5a: {  	s6 =	simm.s32 @!p1 $0x7780;
	[sflag:s4] =	ssyncadd.s32 @!p1 $0xFFFFEC00;
	s4 =	sadd.s32 @!p1 $0x168, s22  }
0x5b: {  	[tilespmem:s6], [sflag:$0x5] =	stream.indirect.gather @!p1 [spmem:s2], $0x80, s4, s5, $0xb8;
	[tilespmem:$0x1C400] =	vst v63  }
0x5c: {  	_ =	swait.ge [sflag:s30], $0x1400  }
0x5d: {  	[sflag:s30] =	ssyncset.done $0x0  }
0x5e: {  	[sflag:s30] =	ssyncadd.s32 $0xFFFFEC00  }
0x5f: {  	_ =	swait.ge [sflag:s31], $0x1400  }
0x60: {  	[sflag:s31] =	ssyncset.done $0x0  }
0x61: {  	[sflag:s31] =	ssyncadd.s32 $0xFFFFEC00  }
0x62: {  	_ =	swait.ge [sflag:s0], $0x1400  }
0x63: {  	[sflag:s0] =	ssyncset.done $0x0  }
0x64: {  	s13 =	sadd.s32 $0x1, s13;
	[sflag:s0] =	ssyncadd.s32 $0xFFFFEC00  }
0x65: {  	p1 =	sne.s32 s13, s7;
	_ =	swait.ge [sflag:s1], $0x1400  }
.Ltmp1:
0x66: {  	[sflag:s1] =	ssyncset.done $0x0;
	(pc) =	sbr.rel @p1 .LBB2_1-.Ltmp1, $4  }
0x67: {  	[sflag:s1] =	ssyncadd.s32 $0xFFFFEC00  }
0x68: {  	_ =	swait.ge [sflag:s12], $0x1400  }
0x69: {  	[sflag:s12] =	ssyncset.done $0x0  }
0x6a: {  	[sflag:s12] =	ssyncadd.s32 $0xFFFFEC00  }
0x6b: {  	_ =	sfence.sel $0x180000  }
0x6c: {  	[bflag:$0x0] =	sbarrier.arrive $0xFFFF  }
0x6d: {  	_ =	strace $0x90000047  }
0x6e: {  	s0 =	stileid.u32;
	[bflag:$0x2] =	sbarrier.arrive $0xFFFF  }
0x6f: {  	p0 =	sne.s32 s0, $0x0;
	s0 =	rddreg [dreg:$0x3]  }
0x70: {  	s0 =	sadd.s32 @!p0 $0x100000, s0  }
0x71: {  	[sflag:s0] =	ssyncadd.tile.s32 @!p0 $0x1;
	_ =	shalt  }
.Lfunc_end2:
_tile_overlayer_lowered:
.L_overlay_start_2:
0x72: {  	(tag) =	ssettag $0x2  }
0x73: {  	s0 =	rddreg [dreg:$0x0];
	s2 =	stileid.u32  }
0x74: {  	s1 =	rddreg [dreg:$0x1];
	p0 =	sne.s32 s2, $0x0  }
0x75: {  	s3 =	rddreg [dreg:$0x2];
	[bflag:$0x3] =	sbarrier.arrive $0xFFFF;
	s2 =	simm.s32 @!p0 $0x1C0B  }
0x76: {  	[timem:s3], [sflag:s2] =	dma.local @!p0 [hbm:s0], s1  }
0x77: {  	s0 =	simm.s32 @!p0 $0xB  }
0x78: {  	_ =	swait.ge @!p0 [sflag:s0], s1  }
0x79: {  	s1 =	ssub.s32 @!p0 $0x0, s1;
	[sflag:s0] =	ssyncset.done @!p0 $0x0  }
0x7a: {  	[sflag:s0] =	ssyncadd.s32 @!p0 s1  }
0x7b: {  	[bflag:$0x3] =	sbarrier.arrive $0xFFFF  }
0x7c: {  	_ =	shalt  }

</sc_bundles>
